<compile_context>
chip_gen: v7x
topology: tpu7x:2x2x1
jax: 0.10.2.dev20260603
libtpu: 0.0.44.dev20260713+nightly
codegen_flags: <defaults>
</compile_context>

<pallas_src>
import dataclasses

import jax
import jax.numpy as jnp
from jax import lax
from jax.experimental import pallas as pl
from jax.experimental.pallas import tpu as pltpu
from jax.experimental.pallas import tpu_sc as plsc

S = 7
NA = 4
NCLS = 20
B = 512
NOBJ = 20
CELLS = S * S * NA
LANES = 16
NW = 32
IPW = B // NW

WP = 1.0 / (B * CELLS)
WQ = 1.0 / (B * CELLS * NCLS)
WXY = 1.0 / (B * CELLS * 2)
WL = 1.0 / (B * CELLS * S)


def _phys_ab(x):
    c = x.shape[4]
    t = x.transpose(1, 2, 4, 3, 0).reshape(S, S, c, NA, 4, 128)
    return t.transpose(0, 1, 2, 4, 3, 5)


def _phys_cb(x):
    c = x.shape[4]
    t = x.transpose(1, 2, 3, 4, 0).reshape(S, S, NA, c, 4, 128)
    return t.transpose(0, 1, 2, 4, 3, 5)


def _sc_body(boxes_hbm, labels_hbm, p_hbm, q_hbm, xy_hbm, lx_hbm, ly_hbm,
             out_hbm,
             boxes_v, lab_v, key_s, qk_s, tx_s, ty_s,
             ip_s, iq_s, ix_s, iy_s, ilx_s, ily_s,
             sp_s, sq_s, pg, qg, xg, yg, lxg, lyg, acc_v, sem):
    cid = lax.axis_index("c")
    sid = lax.axis_index("s")
    wid = cid * 16 + sid
    tb = wid // 8
    bl0 = (wid % 8) * 16
    iota = lax.iota(jnp.int32, LANES)
    bl = bl0 + iota

    c_box = pltpu.async_copy(boxes_hbm.at[:, tb, :, :], boxes_v, sem)
    c_lab = pltpu.async_copy(labels_hbm.at[:, tb, :], lab_v, sem)
    c_box.wait()
    c_lab.wait()

    @pl.loop(0, NOBJ)
    def _(i):
        x0 = boxes_v[i, 0, pl.ds(bl0, LANES)]
        y0 = boxes_v[i, 1, pl.ds(bl0, LANES)]
        x1 = boxes_v[i, 2, pl.ds(bl0, LANES)]
        y1 = boxes_v[i, 3, pl.ds(bl0, LANES)]
        x0 = jnp.where(x0 <= 0.0, 1e-6, x0)
        y0 = jnp.where(y0 <= 0.0, 1e-6, y0)
        x1 = jnp.where(x1 <= 0.0, 1e-6, x1)
        y1 = jnp.where(y1 <= 0.0, 1e-6, y1)
        cx = (x0 + x1) * 0.5
        cy = (y0 + y1) * 0.5
        cxc = jnp.minimum(jnp.maximum(cx, 1e-6), 1.0 - 1e-6)
        cyc = jnp.minimum(jnp.maximum(cy, 1e-6), 1.0 - 1e-6)
        gxf = cxc * float(S)
        gyf = cyc * float(S)
        gx = jnp.minimum(jnp.maximum(gxf.astype(jnp.int32), 0), S - 1)
        gy = jnp.minimum(jnp.maximum(gyf.astype(jnp.int32), 0), S - 1)
        tx = gxf - gx.astype(jnp.float32)
        ty = gyf - gy.astype(jnp.float32)
        a = lax.rem(i, NA)
        g2 = gy * S + gx
        key = g2 * NA + a
        labv = lab_v[i, pl.ds(bl0, LANES)]
        tb4a = tb * 4 + a
        sl = pl.ds(i * LANES, LANES)
        key_s[sl] = key
        qk_s[sl] = key * NCLS + labv
        tx_s[sl] = tx
        ty_s[sl] = ty
        ip_s[sl] = ((g2 * NA + a) * 4 + tb) * 128 + bl
        iq_s[sl] = ((g2 * NCLS + labv) * 16 + tb4a) * 128 + bl
        ix_s[sl] = ((g2 * NA + a) * 8 + tb * 2) * 128 + bl
        iy_s[sl] = ((g2 * NA + a) * 8 + tb * 2 + 1) * 128 + bl
        ilx_s[sl] = ((g2 * S + gx) * 16 + tb4a) * 128 + bl
        ily_s[sl] = ((g2 * S + gy) * 16 + tb4a) * 128 + bl

    copies = [
        pltpu.async_copy(p_hbm.at[ip_s], pg, sem),
        pltpu.async_copy(q_hbm.at[iq_s], qg, sem),
        pltpu.async_copy(xy_hbm.at[ix_s], xg, sem),
        pltpu.async_copy(xy_hbm.at[iy_s], yg, sem),
        pltpu.async_copy(lx_hbm.at[ilx_s], lxg, sem),
        pltpu.async_copy(ly_hbm.at[ily_s], lyg, sem),
    ]

    ones = jnp.full((LANES,), 1.0, jnp.float32)

    @pl.loop(0, NOBJ)
    def _(i):
        sli = pl.ds(i * LANES, LANES)
        sp_s[sli] = ones
        sq_s[sli] = ones

    for d in range(NA, NOBJ, NA):
        @pl.loop(0, NOBJ - d)
        def _(i):
            sli = pl.ds(i * LANES, LANES)
            slj = pl.ds((i + d) * LANES, LANES)
            ki = key_s[sli]
            qi = qk_s[sli]
            kj = key_s[slj]
            qj = qk_s[slj]
            sp_s[sli] = jnp.where(ki != kj, sp_s[sli], 0.0)
            sq_s[sli] = jnp.where(qi != qj, sq_s[sli], 0.0)

    for c in copies:
        c.wait()
    acc_v[...] = jnp.zeros((LANES,), jnp.float32)

    @pl.loop(0, NOBJ)
    def _(i):
        sl = pl.ds(i * LANES, LANES)
        sp = sp_s[sl]
        sq = sq_s[sl]
        tx = tx_s[sl]
        ty = ty_s[sl]
        contrib = (sp * (WP - 2.0 * WP * pg[sl])
                   + sq * (WQ - 2.0 * WQ * qg[sl])
                   + sp * WXY * (tx * tx - 2.0 * tx * xg[sl]
                                 + ty * ty - 2.0 * ty * yg[sl])
                   + sp * WL * (2.0 - 2.0 * (lxg[sl] + lyg[sl])))
        acc_v[...] = acc_v[...] + contrib

    pltpu.sync_copy(acc_v, out_hbm.at[pl.ds(wid * LANES, LANES)])


def _sc_corrections(boxes_f, labels_f, p1, q1, xy1, lx1, ly1):
    mesh = plsc.VectorSubcoreMesh(core_axis_name="c", subcore_axis_name="s")
    cp = pltpu.CompilerParams()
    fields = pltpu.CompilerParams.__dataclass_fields__
    if "needs_layout_passes" in fields:
        cp = dataclasses.replace(cp, needs_layout_passes=False)
    if "use_tc_tiling_on_sc" in fields:
        cp = dataclasses.replace(cp, use_tc_tiling_on_sc=False)
    n = IPW * NOBJ
    f32 = jnp.float32
    i32 = jnp.int32
    run = pl.kernel(
        _sc_body,
        out_type=jax.ShapeDtypeStruct((B,), f32),
        mesh=mesh,
        compiler_params=cp,
        scratch_types=(
            [pltpu.VMEM((NOBJ, 4, 128), f32),
             pltpu.VMEM((NOBJ, 128), i32),
             pltpu.VMEM((n,), i32),
             pltpu.VMEM((n,), i32),
             pltpu.VMEM((n,), f32),
             pltpu.VMEM((n,), f32)]
            + [pltpu.VMEM((n,), i32)] * 6
            + [pltpu.VMEM((n,), f32)] * 2
            + [pltpu.VMEM((n,), f32)] * 6
            + [pltpu.VMEM((LANES,), f32),
               pltpu.SemaphoreType.DMA]
        ),
    )
    return run(boxes_f, labels_f, p1, q1, xy1, lx1, ly1)


def _tc_body(p_ref, q_ref, xy_ref, lx_ref, ly_ref, out_ref):
    s = (jnp.sum(p_ref[...] * p_ref[...]) * WP
         + jnp.sum(q_ref[...] * q_ref[...]) * WQ
         + jnp.sum(xy_ref[...] * xy_ref[...]) * WXY
         + (jnp.sum(lx_ref[...] * lx_ref[...])
            + jnp.sum(ly_ref[...] * ly_ref[...])) * WL)

    @pl.when(pl.program_id(0) == 0)
    def _():
        out_ref[0, 0] = 0.0

    out_ref[0, 0] += s


def _tc_dense(pr, qr, xyr, lxr, lyr, grid=1, interpret=False):
    def spec(rows):
        return pl.BlockSpec((rows // grid, 128), lambda i: (i, 0))

    out = pl.pallas_call(
        _tc_body,
        grid=(grid,),
        in_specs=[spec(pr.shape[0]), spec(qr.shape[0]), spec(xyr.shape[0]),
                  spec(lxr.shape[0]), spec(lyr.shape[0])],
        out_specs=pl.BlockSpec((1, 1), lambda i: (0, 0),
                               memory_space=pltpu.SMEM),
        out_shape=jax.ShapeDtypeStruct((1, 1), jnp.float32),
        interpret=interpret,
    )(pr, qr, xyr, lxr, lyr)
    return out[0, 0]


def kernel(predicted_locs, predicted_scores, p, q, xy, linkx, linky, boxes,
           labels):
    del predicted_locs, predicted_scores
    pv = _phys_cb(p)
    qv = _phys_ab(q)
    xyv = _phys_cb(xy)
    lxv = _phys_ab(linkx)
    lyv = _phys_ab(linky)
    boxes_f = (boxes.transpose(1, 2, 0).reshape(NOBJ, 4, 4, 128)
               .transpose(0, 2, 1, 3))
    labels_f = labels.astype(jnp.int32).T.reshape(NOBJ, 4, 128)
    dense = _tc_dense(pv.reshape(-1, 128), qv.reshape(-1, 128),
                      xyv.reshape(-1, 128), lxv.reshape(-1, 128),
                      lyv.reshape(-1, 128))
    corr = _sc_corrections(boxes_f, labels_f,
                           pv.reshape(-1), qv.reshape(-1), xyv.reshape(-1),
                           lxv.reshape(-1), lyv.reshape(-1))
    return dense + jnp.sum(corr)

# --- scband reference (transcript-rebuilt; emitter-appended) ---
"""Pipeline reference for scband-multi-box-loss-52450140619149 (READ-ONLY COPY).

The authoritative reference and input builder live on the scoring server;
editing this copy changes nothing except your own understanding.
"""

import jax, jax.numpy as jnp
import numpy as np

S = 7
N_ANCH = 4
N_CLASSES = 20

def make_label_single(box, label):
    # box: [n_obj, 4] (xmin, ymin, xmax, ymax in [0,1]); label: [n_obj] int
    box = jnp.where(box <= 0, 1e-06, box)
    cx = (box[:, 0] + box[:, 2]) / 2.0
    cy = (box[:, 1] + box[:, 3]) / 2.0
    cxc = jnp.clip(cx, 1e-06, 1.0 - 1e-06)
    cyc = jnp.clip(cy, 1e-06, 1.0 - 1e-06)
    gx = jnp.clip(jnp.floor(cxc * S), 0, S - 1).astype(jnp.int32)
    gy = jnp.clip(jnp.floor(cyc * S), 0, S - 1).astype(jnp.int32)
    n_obj = box.shape[0]
    a = (jnp.arange(n_obj) % N_ANCH).astype(jnp.int32)
    tx = cxc * S - gx.astype(jnp.float32)
    ty = cyc * S - gy.astype(jnp.float32)
    p = jnp.zeros((S, S, N_ANCH, 1), jnp.float32).at[gy, gx, a, 0].set(1.0)
    q = jnp.zeros((S, S, N_ANCH, N_CLASSES), jnp.float32).at[gy, gx, a, label].set(1.0)
    xy = jnp.zeros((S, S, N_ANCH, 2), jnp.float32).at[gy, gx, a, 0].set(tx).at[gy, gx, a, 1].set(ty)
    linkx = jnp.zeros((S, S, N_ANCH, S), jnp.float32).at[gy, gx, a, gx].set(1.0)
    linky = jnp.zeros((S, S, N_ANCH, S), jnp.float32).at[gy, gx, a, gy].set(1.0)
    return p, q, xy, linkx, linky

def _mse(a, b):
    return jnp.mean((a - b) ** 2)

def setup_inputs(seed: int = 0):
    key = jax.random.key(seed)
    ks = jax.random.split(key, 10)
    B = 512
    n_priors = 49
    n_classes = 21
    n_obj = 20
    predicted_locs = jax.random.normal(ks[0], (B, n_priors, 4), jnp.float32)
    predicted_scores = jax.random.normal(ks[1], (B, n_priors, n_classes), jnp.float32)
    p = jax.random.uniform(ks[2], (B, S, S, N_ANCH, 1), jnp.float32)
    q = jax.random.uniform(ks[3], (B, S, S, N_ANCH, N_CLASSES), jnp.float32)
    xy = jax.random.uniform(ks[4], (B, S, S, N_ANCH, 2), jnp.float32)
    linkx = jax.random.uniform(ks[5], (B, S, S, N_ANCH, S), jnp.float32)
    linky = jax.random.uniform(ks[6], (B, S, S, N_ANCH, S), jnp.float32)
    boxes = jax.random.uniform(ks[7], (B, n_obj, 4), jnp.float32)
    labels = jax.random.randint(ks[8], (B, n_obj), 0, N_CLASSES)
    return {"predicted_locs": predicted_locs, "predicted_scores": predicted_scores, "p": p, "q": q, "xy": xy, "linkx": linkx, "linky": linky, "boxes": boxes, "labels": labels}

def reference(predicted_locs, predicted_scores, p, q, xy, linkx, linky, boxes, labels):
    true_p, true_q, true_xy, true_linkx, true_linky = jax.vmap(make_label_single)(boxes, labels)
    loss_pt = _mse(true_p, p) + _mse(true_q, q) + _mse(true_xy, xy) + _mse(true_linkx, linkx) + _mse(true_linky, linky)
    return loss_pt

if __name__ == "__main__":
    import jax
    _d = setup_inputs()
    print(jax.jit(kernel)(*tuple(_d.values())))

</pallas_src>

<mosaic_0001>
#map = affine_map<(d0, d1) -> (0, 0, 0, 0)>
#map1 = affine_map<(d0, d1) -> (0, 0, 0)>
#map2 = affine_map<(d0, d1) -> (0)>
module attributes {stable_mosaic.version = 14 : i64} {
  func.func @_sc_body(%arg0: i32, %arg1: i32, %arg2: memref<20x4x4x128xf32, #tpu.memory_space<hbm>>, %arg3: memref<20x4x128xi32, #tpu.memory_space<hbm>>, %arg4: memref<100352xf32, #tpu.memory_space<hbm>>, %arg5: memref<2007040xf32, #tpu.memory_space<hbm>>, %arg6: memref<200704xf32, #tpu.memory_space<hbm>>, %arg7: memref<702464xf32, #tpu.memory_space<hbm>>, %arg8: memref<702464xf32, #tpu.memory_space<hbm>>, %arg9: memref<512xf32, #tpu.memory_space<hbm>>, %arg10: memref<20x4x128xf32, #tpu.memory_space<vmem>>, %arg11: memref<20x128xi32, #tpu.memory_space<vmem>>, %arg12: memref<320xi32, #tpu.memory_space<vmem>>, %arg13: memref<320xi32, #tpu.memory_space<vmem>>, %arg14: memref<320xf32, #tpu.memory_space<vmem>>, %arg15: memref<320xf32, #tpu.memory_space<vmem>>, %arg16: memref<320xi32, #tpu.memory_space<vmem>>, %arg17: memref<320xi32, #tpu.memory_space<vmem>>, %arg18: memref<320xi32, #tpu.memory_space<vmem>>, %arg19: memref<320xi32, #tpu.memory_space<vmem>>, %arg20: memref<320xi32, #tpu.memory_space<vmem>>, %arg21: memref<320xi32, #tpu.memory_space<vmem>>, %arg22: memref<320xf32, #tpu.memory_space<vmem>>, %arg23: memref<320xf32, #tpu.memory_space<vmem>>, %arg24: memref<320xf32, #tpu.memory_space<vmem>>, %arg25: memref<320xf32, #tpu.memory_space<vmem>>, %arg26: memref<320xf32, #tpu.memory_space<vmem>>, %arg27: memref<320xf32, #tpu.memory_space<vmem>>, %arg28: memref<320xf32, #tpu.memory_space<vmem>>, %arg29: memref<320xf32, #tpu.memory_space<vmem>>, %arg30: memref<16xf32, #tpu.memory_space<vmem>>, %arg31: memref<!tpu.dma_semaphore, #tpu.memory_space<semaphore_mem>>) attributes {dimension_semantics = [#tpu.dimension_semantics<core_parallel>, #tpu.dimension_semantics<subcore_parallel>], iteration_bounds = array<i64: 2, 16>, scalar_prefetch = 0 : i64, scratch_operands = 22 : i64, tpu.core_type = #tpu.core_type<sc_vector_subcore>, window_params = [{transform_indices = #map}, {transform_indices = #map1}, {transform_indices = #map2}, {transform_indices = #map2}, {transform_indices = #map2}, {transform_indices = #map2}, {transform_indices = #map2}, {transform_indices = #map2}]} {
    %mul3A = arith.constant 16 : i32
    %mul3A_0 = arith.muli %arg0, %mul3A : i32
    %add3A = arith.addi %mul3A_0, %arg1 : i32
    %jit3A = arith.constant 8 : i32
    %div3A = arith.divsi %add3A, %jit3A : i32
    %sign3A = arith.constant 0 : i32
    %sign3A_1 = arith.cmpi sgt, %add3A, %sign3A : i32
    %sign3A_2 = arith.extui %sign3A_1 : i1 to i32
    %sign3A_3 = arith.constant 0 : i32
    %sign3A_4 = arith.cmpi slt, %add3A, %sign3A_3 : i32
    %sign3A_5 = arith.extui %sign3A_4 : i1 to i32
    %sign3A_6 = arith.subi %sign3A_2, %sign3A_5 : i32
    %sign3A_7 = arith.constant 0 : i32
    %sign3A_8 = arith.cmpi sgt, %jit3A, %sign3A_7 : i32
    %sign3A_9 = arith.extui %sign3A_8 : i1 to i32
    %sign3A_10 = arith.constant 0 : i32
    %sign3A_11 = arith.cmpi slt, %jit3A, %sign3A_10 : i32
    %sign3A_12 = arith.extui %sign3A_11 : i1 to i32
    %sign3A_13 = arith.subi %sign3A_9, %sign3A_12 : i32
    %ne3A = arith.cmpi ne, %sign3A_6, %sign3A_13 : i32
    %rem3A = arith.remsi %add3A, %jit3A : i32
    %ne3A_14 = arith.constant 0 : i32
    %ne3A_15 = arith.cmpi ne, %rem3A, %ne3A_14 : i32
    %and3A = arith.andi %ne3A, %ne3A_15 : i1
    %sub3A = arith.constant 1 : i32
    %sub3A_16 = arith.subi %div3A, %sub3A : i32
    %select_n3A = arith.select %and3A, %sub3A_16, %div3A : i32
    %jit3A_17 = arith.constant 8 : i32
    %eq3A = arith.constant 0 : i32
    %eq3A_18 = arith.cmpi eq, %jit3A_17, %eq3A : i32
    %jit3A_19 = arith.constant 1 : i32
    %select_n3A_20 = arith.select %eq3A_18, %jit3A_19, %jit3A_17 : i32
    %rem3A_21 = arith.remsi %add3A, %select_n3A_20 : i32
    %ne3A_22 = arith.constant 0 : i32
    %ne3A_23 = arith.cmpi ne, %rem3A_21, %ne3A_22 : i32
    %lt3A = arith.constant 0 : i32
    %lt3A_24 = arith.cmpi slt, %rem3A_21, %lt3A : i32
    %lt3A_25 = arith.constant 0 : i32
    %lt3A_26 = arith.cmpi slt, %select_n3A_20, %lt3A_25 : i32
    %ne3A_27 = arith.xori %lt3A_24, %lt3A_26 : i1
    %and3A_28 = arith.andi %ne3A_27, %ne3A_23 : i1
    %add3A_29 = arith.addi %rem3A_21, %select_n3A_20 : i32
    %select_n3A_30 = arith.select %and3A_28, %add3A_29, %rem3A_21 : i32
    %mul3A_31 = arith.constant 16 : i32
    %mul3A_32 = arith.muli %select_n3A_30, %mul3A_31 : i32
    %iota3A = tpu.iota {dimensions = array<i32: 0>} : vector<16xi32>
    %add3A_33 = vector.broadcast %mul3A_32 : i32 to vector<16xi32>
    %add3A_34 = arith.addi %add3A_33, %iota3A : vector<16xi32>
    %dma_start3A = arith.constant 0 : i32
    %dma_start3A_35 = arith.constant 0 : i32
    %dma_start3A_36 = arith.constant 0 : i32
    %dma_start3A_37 = tpu.memref_slice %arg2[%dma_start3A, %select_n3A, %dma_start3A_35, %dma_start3A_36] : memref<20x4x4x128xf32, #tpu.memory_space<hbm>> -> memref<20x1x4x128xf32, #tpu.memory_space<hbm>>
    %dma_start3A_38 = tpu.memref_squeeze %dma_start3A_37 : memref<20x1x4x128xf32, #tpu.memory_space<hbm>> -> memref<20x4x128xf32, #tpu.memory_space<hbm>>
    %dma_start3A_39 = arith.constant 0 : i32
    %dma_start3A_40 = arith.constant 0 : i32
    %dma_start3A_41 = arith.constant 0 : i32
    %dma_start3A_42 = tpu.memref_slice %arg2[%dma_start3A_39, %select_n3A, %dma_start3A_40, %dma_start3A_41] : memref<20x4x4x128xf32, #tpu.memory_space<hbm>> -> memref<20x1x4x128xf32, #tpu.memory_space<hbm>>
    %dma_start3A_43 = tpu.memref_squeeze %dma_start3A_42 : memref<20x1x4x128xf32, #tpu.memory_space<hbm>> -> memref<20x4x128xf32, #tpu.memory_space<hbm>>
    tpu.enqueue_dma source(%dma_start3A_43 : memref<20x4x128xf32, #tpu.memory_space<hbm>>) target(%arg10 : memref<20x4x128xf32, #tpu.memory_space<vmem>>) target_semaphore(%arg31 : memref<!tpu.dma_semaphore, #tpu.memory_space<semaphore_mem>>)
    %dma_start3A_44 = arith.constant 0 : i32
    %dma_start3A_45 = arith.constant 0 : i32
    %dma_start3A_46 = tpu.memref_slice %arg3[%dma_start3A_44, %select_n3A, %dma_start3A_45] : memref<20x4x128xi32, #tpu.memory_space<hbm>> -> memref<20x1x128xi32, #tpu.memory_space<hbm>>
    %dma_start3A_47 = tpu.memref_squeeze %dma_start3A_46 : memref<20x1x128xi32, #tpu.memory_space<hbm>> -> memref<20x128xi32, #tpu.memory_space<hbm>>
    %dma_start3A_48 = arith.constant 0 : i32
    %dma_start3A_49 = arith.constant 0 : i32
    %dma_start3A_50 = tpu.memref_slice %arg3[%dma_start3A_48, %select_n3A, %dma_start3A_49] : memref<20x4x128xi32, #tpu.memory_space<hbm>> -> memref<20x1x128xi32, #tpu.memory_space<hbm>>
    %dma_start3A_51 = tpu.memref_squeeze %dma_start3A_50 : memref<20x1x128xi32, #tpu.memory_space<hbm>> -> memref<20x128xi32, #tpu.memory_space<hbm>>
    tpu.enqueue_dma source(%dma_start3A_51 : memref<20x128xi32, #tpu.memory_space<hbm>>) target(%arg11 : memref<20x128xi32, #tpu.memory_space<vmem>>) target_semaphore(%arg31 : memref<!tpu.dma_semaphore, #tpu.memory_space<semaphore_mem>>)
    %dma_wait3A = arith.constant 0 : i32
    %dma_wait3A_52 = arith.constant 0 : i32
    %dma_wait3A_53 = arith.constant 0 : i32
    %dma_wait3A_54 = tpu.memref_slice %arg2[%dma_wait3A, %select_n3A, %dma_wait3A_52, %dma_wait3A_53] : memref<20x4x4x128xf32, #tpu.memory_space<hbm>> -> memref<20x1x4x128xf32, #tpu.memory_space<hbm>>
    %dma_wait3A_55 = tpu.memref_squeeze %dma_wait3A_54 : memref<20x1x4x128xf32, #tpu.memory_space<hbm>> -> memref<20x4x128xf32, #tpu.memory_space<hbm>>
    %dma_wait3A_56 = arith.constant 0 : i32
    %dma_wait3A_57 = arith.constant 0 : i32
    %dma_wait3A_58 = arith.constant 0 : i32
    %dma_wait3A_59 = tpu.memref_slice %arg2[%dma_wait3A_56, %select_n3A, %dma_wait3A_57, %dma_wait3A_58] : memref<20x4x4x128xf32, #tpu.memory_space<hbm>> -> memref<20x1x4x128xf32, #tpu.memory_space<hbm>>
    %dma_wait3A_60 = tpu.memref_squeeze %dma_wait3A_59 : memref<20x1x4x128xf32, #tpu.memory_space<hbm>> -> memref<20x4x128xf32, #tpu.memory_space<hbm>>
    tpu.wait_dma2 semaphore(%arg31 : memref<!tpu.dma_semaphore, #tpu.memory_space<semaphore_mem>>) src(%dma_wait3A_60 : memref<20x4x128xf32, #tpu.memory_space<hbm>>) dst(%arg10 : memref<20x4x128xf32, #tpu.memory_space<vmem>>)
    %dma_wait3A_61 = arith.constant 0 : i32
    %dma_wait3A_62 = arith.constant 0 : i32
    %dma_wait3A_63 = tpu.memref_slice %arg3[%dma_wait3A_61, %select_n3A, %dma_wait3A_62] : memref<20x4x128xi32, #tpu.memory_space<hbm>> -> memref<20x1x128xi32, #tpu.memory_space<hbm>>
    %dma_wait3A_64 = tpu.memref_squeeze %dma_wait3A_63 : memref<20x1x128xi32, #tpu.memory_space<hbm>> -> memref<20x128xi32, #tpu.memory_space<hbm>>
    %dma_wait3A_65 = arith.constant 0 : i32
    %dma_wait3A_66 = arith.constant 0 : i32
    %dma_wait3A_67 = tpu.memref_slice %arg3[%dma_wait3A_65, %select_n3A, %dma_wait3A_66] : memref<20x4x128xi32, #tpu.memory_space<hbm>> -> memref<20x1x128xi32, #tpu.memory_space<hbm>>
    %dma_wait3A_68 = tpu.memref_squeeze %dma_wait3A_67 : memref<20x1x128xi32, #tpu.memory_space<hbm>> -> memref<20x128xi32, #tpu.memory_space<hbm>>
    tpu.wait_dma2 semaphore(%arg31 : memref<!tpu.dma_semaphore, #tpu.memory_space<semaphore_mem>>) src(%dma_wait3A_68 : memref<20x128xi32, #tpu.memory_space<hbm>>) dst(%arg11 : memref<20x128xi32, #tpu.memory_space<vmem>>)
    %scan3A = arith.constant 0 : i32
    %scan3A_69 = arith.constant 20 : i32
    %scan3A_70 = arith.addi %scan3A, %scan3A_69 : i32
    %scan3A_71 = arith.constant 1 : i32
    scf.for %scan3A_133 = %scan3A to %scan3A_70 step %scan3A_71  : i32 {
      %mul3A_134 = arith.constant 1 : i32
      %mul3A_135 = arith.muli %scan3A_133, %mul3A_134 : i32
      %add3A_136 = arith.constant 0 : i32
      %add3A_137 = arith.addi %add3A_136, %mul3A_135 : i32
      %get3A = arith.constant 0 : i32
      %get3A_138 = arith.index_cast %add3A_137 : i32 to index
      %get3A_139 = arith.index_cast %get3A : i32 to index
      %get3A_140 = arith.index_cast %mul3A_32 : i32 to index
      %get3A_141 = tpu.vector_load %arg10[%get3A_138, %get3A_139, %get3A_140] {strides = array<i32>} : memref<20x4x128xf32, #tpu.memory_space<vmem>>, vector<16xf32>,
      %get3A_142 = arith.constant 1 : i32
      %get3A_143 = arith.index_cast %add3A_137 : i32 to index
      %get3A_144 = arith.index_cast %get3A_142 : i32 to index
      %get3A_145 = arith.index_cast %mul3A_32 : i32 to index
      %get3A_146 = tpu.vector_load %arg10[%get3A_143, %get3A_144, %get3A_145] {strides = array<i32>} : memref<20x4x128xf32, #tpu.memory_space<vmem>>, vector<16xf32>,
      %get3A_147 = arith.constant 2 : i32
      %get3A_148 = arith.index_cast %add3A_137 : i32 to index
      %get3A_149 = arith.index_cast %get3A_147 : i32 to index
      %get3A_150 = arith.index_cast %mul3A_32 : i32 to index
      %get3A_151 = tpu.vector_load %arg10[%get3A_148, %get3A_149, %get3A_150] {strides = array<i32>} : memref<20x4x128xf32, #tpu.memory_space<vmem>>, vector<16xf32>,
      %get3A_152 = arith.constant 3 : i32
      %get3A_153 = arith.index_cast %add3A_137 : i32 to index
      %get3A_154 = arith.index_cast %get3A_152 : i32 to index
      %get3A_155 = arith.index_cast %mul3A_32 : i32 to index
      %get3A_156 = tpu.vector_load %arg10[%get3A_153, %get3A_154, %get3A_155] {strides = array<i32>} : memref<20x4x128xf32, #tpu.memory_space<vmem>>, vector<16xf32>,
      %le3A = arith.constant 0.000000e+00 : f32
      %le3A_157 = vector.broadcast %le3A : f32 to vector<16xf32>
      %le3A_158 = arith.cmpf ole, %get3A_141, %le3A_157 : vector<16xf32>
      %jit3A_159 = arith.constant 9.99999997E-7 : f32
      %broadcast_in_dim3A_160 = vector.broadcast %jit3A_159 : f32 to vector<16xf32>
      %select_n3A_161 = arith.select %le3A_158, %broadcast_in_dim3A_160, %get3A_141 : vector<16xi1>, vector<16xf32>
      %le3A_162 = arith.constant 0.000000e+00 : f32
      %le3A_163 = vector.broadcast %le3A_162 : f32 to vector<16xf32>
      %le3A_164 = arith.cmpf ole, %get3A_146, %le3A_163 : vector<16xf32>
      %jit3A_165 = arith.constant 9.99999997E-7 : f32
      %broadcast_in_dim3A_166 = vector.broadcast %jit3A_165 : f32 to vector<16xf32>
      %select_n3A_167 = arith.select %le3A_164, %broadcast_in_dim3A_166, %get3A_146 : vector<16xi1>, vector<16xf32>
      %le3A_168 = arith.constant 0.000000e+00 : f32
      %le3A_169 = vector.broadcast %le3A_168 : f32 to vector<16xf32>
      %le3A_170 = arith.cmpf ole, %get3A_151, %le3A_169 : vector<16xf32>
      %jit3A_171 = arith.constant 9.99999997E-7 : f32
      %broadcast_in_dim3A_172 = vector.broadcast %jit3A_171 : f32 to vector<16xf32>
      %select_n3A_173 = arith.select %le3A_170, %broadcast_in_dim3A_172, %get3A_151 : vector<16xi1>, vector<16xf32>
      %le3A_174 = arith.constant 0.000000e+00 : f32
      %le3A_175 = vector.broadcast %le3A_174 : f32 to vector<16xf32>
      %le3A_176 = arith.cmpf ole, %get3A_156, %le3A_175 : vector<16xf32>
      %jit3A_177 = arith.constant 9.99999997E-7 : f32
      %broadcast_in_dim3A_178 = vector.broadcast %jit3A_177 : f32 to vector<16xf32>
      %select_n3A_179 = arith.select %le3A_176, %broadcast_in_dim3A_178, %get3A_156 : vector<16xi1>, vector<16xf32>
      %add3A_180 = arith.addf %select_n3A_161, %select_n3A_173 : vector<16xf32>
      %mul3A_181 = arith.constant 5.000000e-01 : f32
      %mul3A_182 = vector.broadcast %mul3A_181 : f32 to vector<16xf32>
      %mul3A_183 = arith.mulf %add3A_180, %mul3A_182 : vector<16xf32>
      %add3A_184 = arith.addf %select_n3A_167, %select_n3A_179 : vector<16xf32>
      %mul3A_185 = arith.constant 5.000000e-01 : f32
      %mul3A_186 = vector.broadcast %mul3A_185 : f32 to vector<16xf32>
      %mul3A_187 = arith.mulf %add3A_184, %mul3A_186 : vector<16xf32>
      %max3A = arith.constant 9.99999997E-7 : f32
      %max3A_188 = vector.broadcast %max3A : f32 to vector<16xf32>
      %max3A_189 = arith.maximumf %mul3A_183, %max3A_188 : vector<16xf32>
      %min3A = arith.constant 0.999998986 : f32
      %min3A_190 = vector.broadcast %min3A : f32 to vector<16xf32>
      %min3A_191 = arith.minimumf %max3A_189, %min3A_190 : vector<16xf32>
      %max3A_192 = arith.constant 9.99999997E-7 : f32
      %max3A_193 = vector.broadcast %max3A_192 : f32 to vector<16xf32>
      %max3A_194 = arith.maximumf %mul3A_187, %max3A_193 : vector<16xf32>
      %min3A_195 = arith.constant 0.999998986 : f32
      %min3A_196 = vector.broadcast %min3A_195 : f32 to vector<16xf32>
      %min3A_197 = arith.minimumf %max3A_194, %min3A_196 : vector<16xf32>
      %mul3A_198 = arith.constant 7.000000e+00 : f32
      %mul3A_199 = vector.broadcast %mul3A_198 : f32 to vector<16xf32>
      %mul3A_200 = arith.mulf %min3A_191, %mul3A_199 : vector<16xf32>
      %mul3A_201 = arith.constant 7.000000e+00 : f32
      %mul3A_202 = vector.broadcast %mul3A_201 : f32 to vector<16xf32>
      %mul3A_203 = arith.mulf %min3A_197, %mul3A_202 : vector<16xf32>
      %convert_element_type3A = arith.fptosi %mul3A_200 : vector<16xf32> to vector<16xi32>
      %max3A_204 = arith.constant 0 : i32
      %max3A_205 = vector.broadcast %max3A_204 : i32 to vector<16xi32>
      %max3A_206 = arith.maxsi %convert_element_type3A, %max3A_205 : vector<16xi32>
      %min3A_207 = arith.constant 6 : i32
      %min3A_208 = vector.broadcast %min3A_207 : i32 to vector<16xi32>
      %min3A_209 = arith.minsi %max3A_206, %min3A_208 : vector<16xi32>
      %convert_element_type3A_210 = arith.fptosi %mul3A_203 : vector<16xf32> to vector<16xi32>
      %max3A_211 = arith.constant 0 : i32
      %max3A_212 = vector.broadcast %max3A_211 : i32 to vector<16xi32>
      %max3A_213 = arith.maxsi %convert_element_type3A_210, %max3A_212 : vector<16xi32>
      %min3A_214 = arith.constant 6 : i32
      %min3A_215 = vector.broadcast %min3A_214 : i32 to vector<16xi32>
      %min3A_216 = arith.minsi %max3A_213, %min3A_215 : vector<16xi32>
      %convert_element_type3A_217 = arith.sitofp %min3A_209 : vector<16xi32> to vector<16xf32>
      %sub3A_218 = arith.subf %mul3A_200, %convert_element_type3A_217 : vector<16xf32>
      %convert_element_type3A_219 = arith.sitofp %min3A_216 : vector<16xi32> to vector<16xf32>
      %sub3A_220 = arith.subf %mul3A_203, %convert_element_type3A_219 : vector<16xf32>
      %rem3A_221 = arith.constant 4 : i32
      %rem3A_222 = arith.remsi %add3A_137, %rem3A_221 : i32
      %mul3A_223 = arith.constant 7 : i32
      %mul3A_224 = vector.broadcast %mul3A_223 : i32 to vector<16xi32>
      %mul3A_225 = arith.muli %min3A_216, %mul3A_224 : vector<16xi32>
      %add3A_226 = arith.addi %mul3A_225, %min3A_209 : vector<16xi32>
      %mul3A_227 = arith.constant 4 : i32
      %mul3A_228 = vector.broadcast %mul3A_227 : i32 to vector<16xi32>
      %mul3A_229 = arith.muli %add3A_226, %mul3A_228 : vector<16xi32>
      %add3A_230 = vector.broadcast %rem3A_222 : i32 to vector<16xi32>
      %add3A_231 = arith.addi %mul3A_229, %add3A_230 : vector<16xi32>
      %get3A_232 = arith.index_cast %add3A_137 : i32 to index
      %get3A_233 = arith.index_cast %mul3A_32 : i32 to index
      %get3A_234 = tpu.vector_load %arg11[%get3A_232, %get3A_233] {strides = array<i32>} : memref<20x128xi32, #tpu.memory_space<vmem>>, vector<16xi32>,
      %mul3A_235 = arith.constant 4 : i32
      %mul3A_236 = arith.muli %select_n3A, %mul3A_235 : i32
      %add3A_237 = arith.addi %mul3A_236, %rem3A_222 : i32
      %mul3A_238 = arith.constant 16 : i32
      %mul3A_239 = arith.muli %add3A_137, %mul3A_238 : i32
      %swap3A_240 = arith.index_cast %mul3A_239 : i32 to index
      %swap3A_241 = tpu.vector_load %arg12[%swap3A_240] {strides = array<i32>} : memref<320xi32, #tpu.memory_space<vmem>>, vector<16xi32>,
      tpu.vector_store %arg12[%swap3A_240], %add3A_231 {strides = array<i32>} : memref<320xi32, #tpu.memory_space<vmem>>, vector<16xi32>,
      %mul3A_242 = arith.constant 20 : i32
      %mul3A_243 = vector.broadcast %mul3A_242 : i32 to vector<16xi32>
      %mul3A_244 = arith.muli %add3A_231, %mul3A_243 : vector<16xi32>
      %add3A_245 = arith.addi %mul3A_244, %get3A_234 : vector<16xi32>
      %swap3A_246 = arith.index_cast %mul3A_239 : i32 to index
      %swap3A_247 = tpu.vector_load %arg13[%swap3A_246] {strides = array<i32>} : memref<320xi32, #tpu.memory_space<vmem>>, vector<16xi32>,
      tpu.vector_store %arg13[%swap3A_246], %add3A_245 {strides = array<i32>} : memref<320xi32, #tpu.memory_space<vmem>>, vector<16xi32>,
      %swap3A_248 = arith.index_cast %mul3A_239 : i32 to index
      %swap3A_249 = tpu.vector_load %arg14[%swap3A_248] {strides = array<i32>} : memref<320xf32, #tpu.memory_space<vmem>>, vector<16xf32>,
      tpu.vector_store %arg14[%swap3A_248], %sub3A_218 {strides = array<i32>} : memref<320xf32, #tpu.memory_space<vmem>>, vector<16xf32>,
      %swap3A_250 = arith.index_cast %mul3A_239 : i32 to index
      %swap3A_251 = tpu.vector_load %arg15[%swap3A_250] {strides = array<i32>} : memref<320xf32, #tpu.memory_space<vmem>>, vector<16xf32>,
      tpu.vector_store %arg15[%swap3A_250], %sub3A_220 {strides = array<i32>} : memref<320xf32, #tpu.memory_space<vmem>>, vector<16xf32>,
      %mul3A_252 = arith.constant 4 : i32
      %mul3A_253 = vector.broadcast %mul3A_252 : i32 to vector<16xi32>
      %mul3A_254 = arith.muli %add3A_226, %mul3A_253 : vector<16xi32>
      %add3A_255 = vector.broadcast %rem3A_222 : i32 to vector<16xi32>
      %add3A_256 = arith.addi %mul3A_254, %add3A_255 : vector<16xi32>
      %mul3A_257 = arith.constant 4 : i32
      %mul3A_258 = vector.broadcast %mul3A_257 : i32 to vector<16xi32>
      %mul3A_259 = arith.muli %add3A_256, %mul3A_258 : vector<16xi32>
      %add3A_260 = vector.broadcast %select_n3A : i32 to vector<16xi32>
      %add3A_261 = arith.addi %mul3A_259, %add3A_260 : vector<16xi32>
      %mul3A_262 = arith.constant 128 : i32
      %mul3A_263 = vector.broadcast %mul3A_262 : i32 to vector<16xi32>
      %mul3A_264 = arith.muli %add3A_261, %mul3A_263 : vector<16xi32>
      %add3A_265 = arith.addi %mul3A_264, %add3A_34 : vector<16xi32>
      %swap3A_266 = arith.index_cast %mul3A_239 : i32 to index
      %swap3A_267 = tpu.vector_load %arg16[%swap3A_266] {strides = array<i32>} : memref<320xi32, #tpu.memory_space<vmem>>, vector<16xi32>,
      tpu.vector_store %arg16[%swap3A_266], %add3A_265 {strides = array<i32>} : memref<320xi32, #tpu.memory_space<vmem>>, vector<16xi32>,
      %mul3A_268 = arith.constant 20 : i32
      %mul3A_269 = vector.broadcast %mul3A_268 : i32 to vector<16xi32>
      %mul3A_270 = arith.muli %add3A_226, %mul3A_269 : vector<16xi32>
      %add3A_271 = arith.addi %mul3A_270, %get3A_234 : vector<16xi32>
      %mul3A_272 = arith.constant 16 : i32
      %mul3A_273 = vector.broadcast %mul3A_272 : i32 to vector<16xi32>
      %mul3A_274 = arith.muli %add3A_271, %mul3A_273 : vector<16xi32>
      %add3A_275 = vector.broadcast %add3A_237 : i32 to vector<16xi32>
      %add3A_276 = arith.addi %mul3A_274, %add3A_275 : vector<16xi32>
      %mul3A_277 = arith.constant 128 : i32
      %mul3A_278 = vector.broadcast %mul3A_277 : i32 to vector<16xi32>
      %mul3A_279 = arith.muli %add3A_276, %mul3A_278 : vector<16xi32>
      %add3A_280 = arith.addi %mul3A_279, %add3A_34 : vector<16xi32>
      %swap3A_281 = arith.index_cast %mul3A_239 : i32 to index
      %swap3A_282 = tpu.vector_load %arg17[%swap3A_281] {strides = array<i32>} : memref<320xi32, #tpu.memory_space<vmem>>, vector<16xi32>,
      tpu.vector_store %arg17[%swap3A_281], %add3A_280 {strides = array<i32>} : memref<320xi32, #tpu.memory_space<vmem>>, vector<16xi32>,
      %mul3A_283 = arith.constant 4 : i32
      %mul3A_284 = vector.broadcast %mul3A_283 : i32 to vector<16xi32>
      %mul3A_285 = arith.muli %add3A_226, %mul3A_284 : vector<16xi32>
      %add3A_286 = vector.broadcast %rem3A_222 : i32 to vector<16xi32>
      %add3A_287 = arith.addi %mul3A_285, %add3A_286 : vector<16xi32>
      %mul3A_288 = arith.constant 8 : i32
      %mul3A_289 = vector.broadcast %mul3A_288 : i32 to vector<16xi32>
      %mul3A_290 = arith.muli %add3A_287, %mul3A_289 : vector<16xi32>
      %mul3A_291 = arith.constant 2 : i32
      %mul3A_292 = arith.muli %select_n3A, %mul3A_291 : i32
      %add3A_293 = vector.broadcast %mul3A_292 : i32 to vector<16xi32>
      %add3A_294 = arith.addi %mul3A_290, %add3A_293 : vector<16xi32>
      %mul3A_295 = arith.constant 128 : i32
      %mul3A_296 = vector.broadcast %mul3A_295 : i32 to vector<16xi32>
      %mul3A_297 = arith.muli %add3A_294, %mul3A_296 : vector<16xi32>
      %add3A_298 = arith.addi %mul3A_297, %add3A_34 : vector<16xi32>
      %swap3A_299 = arith.index_cast %mul3A_239 : i32 to index
      %swap3A_300 = tpu.vector_load %arg18[%swap3A_299] {strides = array<i32>} : memref<320xi32, #tpu.memory_space<vmem>>, vector<16xi32>,
      tpu.vector_store %arg18[%swap3A_299], %add3A_298 {strides = array<i32>} : memref<320xi32, #tpu.memory_space<vmem>>, vector<16xi32>,
      %mul3A_301 = arith.constant 4 : i32
      %mul3A_302 = vector.broadcast %mul3A_301 : i32 to vector<16xi32>
      %mul3A_303 = arith.muli %add3A_226, %mul3A_302 : vector<16xi32>
      %add3A_304 = vector.broadcast %rem3A_222 : i32 to vector<16xi32>
      %add3A_305 = arith.addi %mul3A_303, %add3A_304 : vector<16xi32>
      %mul3A_306 = arith.constant 8 : i32
      %mul3A_307 = vector.broadcast %mul3A_306 : i32 to vector<16xi32>
      %mul3A_308 = arith.muli %add3A_305, %mul3A_307 : vector<16xi32>
      %mul3A_309 = arith.constant 2 : i32
      %mul3A_310 = arith.muli %select_n3A, %mul3A_309 : i32
      %add3A_311 = vector.broadcast %mul3A_310 : i32 to vector<16xi32>
      %add3A_312 = arith.addi %mul3A_308, %add3A_311 : vector<16xi32>
      %add3A_313 = arith.constant 1 : i32
      %add3A_314 = vector.broadcast %add3A_313 : i32 to vector<16xi32>
      %add3A_315 = arith.addi %add3A_312, %add3A_314 : vector<16xi32>
      %mul3A_316 = arith.constant 128 : i32
      %mul3A_317 = vector.broadcast %mul3A_316 : i32 to vector<16xi32>
      %mul3A_318 = arith.muli %add3A_315, %mul3A_317 : vector<16xi32>
      %add3A_319 = arith.addi %mul3A_318, %add3A_34 : vector<16xi32>
      %swap3A_320 = arith.index_cast %mul3A_239 : i32 to index
      %swap3A_321 = tpu.vector_load %arg19[%swap3A_320] {strides = array<i32>} : memref<320xi32, #tpu.memory_space<vmem>>, vector<16xi32>,
      tpu.vector_store %arg19[%swap3A_320], %add3A_319 {strides = array<i32>} : memref<320xi32, #tpu.memory_space<vmem>>, vector<16xi32>,
      %mul3A_322 = arith.constant 7 : i32
      %mul3A_323 = vector.broadcast %mul3A_322 : i32 to vector<16xi32>
      %mul3A_324 = arith.muli %add3A_226, %mul3A_323 : vector<16xi32>
      %add3A_325 = arith.addi %mul3A_324, %min3A_209 : vector<16xi32>
      %mul3A_326 = arith.constant 16 : i32
      %mul3A_327 = vector.broadcast %mul3A_326 : i32 to vector<16xi32>
      %mul3A_328 = arith.muli %add3A_325, %mul3A_327 : vector<16xi32>
      %add3A_329 = vector.broadcast %add3A_237 : i32 to vector<16xi32>
      %add3A_330 = arith.addi %mul3A_328, %add3A_329 : vector<16xi32>
      %mul3A_331 = arith.constant 128 : i32
      %mul3A_332 = vector.broadcast %mul3A_331 : i32 to vector<16xi32>
      %mul3A_333 = arith.muli %add3A_330, %mul3A_332 : vector<16xi32>
      %add3A_334 = arith.addi %mul3A_333, %add3A_34 : vector<16xi32>
      %swap3A_335 = arith.index_cast %mul3A_239 : i32 to index
      %swap3A_336 = tpu.vector_load %arg20[%swap3A_335] {strides = array<i32>} : memref<320xi32, #tpu.memory_space<vmem>>, vector<16xi32>,
      tpu.vector_store %arg20[%swap3A_335], %add3A_334 {strides = array<i32>} : memref<320xi32, #tpu.memory_space<vmem>>, vector<16xi32>,
      %mul3A_337 = arith.constant 7 : i32
      %mul3A_338 = vector.broadcast %mul3A_337 : i32 to vector<16xi32>
      %mul3A_339 = arith.muli %add3A_226, %mul3A_338 : vector<16xi32>
      %add3A_340 = arith.addi %mul3A_339, %min3A_216 : vector<16xi32>
      %mul3A_341 = arith.constant 16 : i32
      %mul3A_342 = vector.broadcast %mul3A_341 : i32 to vector<16xi32>
      %mul3A_343 = arith.muli %add3A_340, %mul3A_342 : vector<16xi32>
      %add3A_344 = vector.broadcast %add3A_237 : i32 to vector<16xi32>
      %add3A_345 = arith.addi %mul3A_343, %add3A_344 : vector<16xi32>
      %mul3A_346 = arith.constant 128 : i32
      %mul3A_347 = vector.broadcast %mul3A_346 : i32 to vector<16xi32>
      %mul3A_348 = arith.muli %add3A_345, %mul3A_347 : vector<16xi32>
      %add3A_349 = arith.addi %mul3A_348, %add3A_34 : vector<16xi32>
      %swap3A_350 = arith.index_cast %mul3A_239 : i32 to index
      %swap3A_351 = tpu.vector_load %arg21[%swap3A_350] {strides = array<i32>} : memref<320xi32, #tpu.memory_space<vmem>>, vector<16xi32>,
      tpu.vector_store %arg21[%swap3A_350], %add3A_349 {strides = array<i32>} : memref<320xi32, #tpu.memory_space<vmem>>, vector<16xi32>,
    }
    %scan3A_72 = arith.constant 20 : i32
    %dma_start3A_73 = arith.constant 0 : i32
    %dma_start3A_74 = tpu.memref_slice %arg4[%dma_start3A_73] : memref<100352xf32, #tpu.memory_space<hbm>> -> memref<100352xf32, #tpu.memory_space<hbm>>
    tpu.enqueue_indirect_dma source(%dma_start3A_74 : memref<100352xf32, #tpu.memory_space<hbm>>) target(%arg24 : memref<320xf32, #tpu.memory_space<vmem>>) offsets(%arg16 : memref<320xi32, #tpu.memory_space<vmem>>) semaphore(%arg31 : memref<!tpu.dma_semaphore, #tpu.memory_space<semaphore_mem>>)
    %dma_start3A_75 = arith.constant 0 : i32
    %dma_start3A_76 = tpu.memref_slice %arg5[%dma_start3A_75] : memref<2007040xf32, #tpu.memory_space<hbm>> -> memref<2007040xf32, #tpu.memory_space<hbm>>
    tpu.enqueue_indirect_dma source(%dma_start3A_76 : memref<2007040xf32, #tpu.memory_space<hbm>>) target(%arg25 : memref<320xf32, #tpu.memory_space<vmem>>) offsets(%arg17 : memref<320xi32, #tpu.memory_space<vmem>>) semaphore(%arg31 : memref<!tpu.dma_semaphore, #tpu.memory_space<semaphore_mem>>)
    %dma_start3A_77 = arith.constant 0 : i32
    %dma_start3A_78 = tpu.memref_slice %arg6[%dma_start3A_77] : memref<200704xf32, #tpu.memory_space<hbm>> -> memref<200704xf32, #tpu.memory_space<hbm>>
    tpu.enqueue_indirect_dma source(%dma_start3A_78 : memref<200704xf32, #tpu.memory_space<hbm>>) target(%arg26 : memref<320xf32, #tpu.memory_space<vmem>>) offsets(%arg18 : memref<320xi32, #tpu.memory_space<vmem>>) semaphore(%arg31 : memref<!tpu.dma_semaphore, #tpu.memory_space<semaphore_mem>>)
    %dma_start3A_79 = arith.constant 0 : i32
    %dma_start3A_80 = tpu.memref_slice %arg6[%dma_start3A_79] : memref<200704xf32, #tpu.memory_space<hbm>> -> memref<200704xf32, #tpu.memory_space<hbm>>
    tpu.enqueue_indirect_dma source(%dma_start3A_80 : memref<200704xf32, #tpu.memory_space<hbm>>) target(%arg27 : memref<320xf32, #tpu.memory_space<vmem>>) offsets(%arg19 : memref<320xi32, #tpu.memory_space<vmem>>) semaphore(%arg31 : memref<!tpu.dma_semaphore, #tpu.memory_space<semaphore_mem>>)
    %dma_start3A_81 = arith.constant 0 : i32
    %dma_start3A_82 = tpu.memref_slice %arg7[%dma_start3A_81] : memref<702464xf32, #tpu.memory_space<hbm>> -> memref<702464xf32, #tpu.memory_space<hbm>>
    tpu.enqueue_indirect_dma source(%dma_start3A_82 : memref<702464xf32, #tpu.memory_space<hbm>>) target(%arg28 : memref<320xf32, #tpu.memory_space<vmem>>) offsets(%arg20 : memref<320xi32, #tpu.memory_space<vmem>>) semaphore(%arg31 : memref<!tpu.dma_semaphore, #tpu.memory_space<semaphore_mem>>)
    %dma_start3A_83 = arith.constant 0 : i32
    %dma_start3A_84 = tpu.memref_slice %arg8[%dma_start3A_83] : memref<702464xf32, #tpu.memory_space<hbm>> -> memref<702464xf32, #tpu.memory_space<hbm>>
    tpu.enqueue_indirect_dma source(%dma_start3A_84 : memref<702464xf32, #tpu.memory_space<hbm>>) target(%arg29 : memref<320xf32, #tpu.memory_space<vmem>>) offsets(%arg21 : memref<320xi32, #tpu.memory_space<vmem>>) semaphore(%arg31 : memref<!tpu.dma_semaphore, #tpu.memory_space<semaphore_mem>>)
    %broadcast_in_dim3A = arith.constant 1.000000e+00 : f32
    %broadcast_in_dim3A_85 = vector.broadcast %broadcast_in_dim3A : f32 to vector<16xf32>
    %scan3A_86 = arith.constant 0 : i32
    %scan3A_87 = arith.constant 20 : i32
    %scan3A_88 = arith.addi %scan3A_86, %scan3A_87 : i32
    %scan3A_89 = arith.constant 1 : i32
    scf.for %scan3A_133 = %scan3A_86 to %scan3A_88 step %scan3A_89  : i32 {
      %mul3A_134 = arith.constant 1 : i32
      %mul3A_135 = arith.muli %scan3A_133, %mul3A_134 : i32
      %add3A_136 = arith.constant 0 : i32
      %add3A_137 = arith.addi %add3A_136, %mul3A_135 : i32
      %mul3A_138 = arith.constant 16 : i32
      %mul3A_139 = arith.muli %add3A_137, %mul3A_138 : i32
      %swap3A_140 = arith.index_cast %mul3A_139 : i32 to index
      %swap3A_141 = tpu.vector_load %arg22[%swap3A_140] {strides = array<i32>} : memref<320xf32, #tpu.memory_space<vmem>>, vector<16xf32>,
      tpu.vector_store %arg22[%swap3A_140], %broadcast_in_dim3A_85 {strides = array<i32>} : memref<320xf32, #tpu.memory_space<vmem>>, vector<16xf32>,
      %swap3A_142 = arith.index_cast %mul3A_139 : i32 to index
      %swap3A_143 = tpu.vector_load %arg23[%swap3A_142] {strides = array<i32>} : memref<320xf32, #tpu.memory_space<vmem>>, vector<16xf32>,
      tpu.vector_store %arg23[%swap3A_142], %broadcast_in_dim3A_85 {strides = array<i32>} : memref<320xf32, #tpu.memory_space<vmem>>, vector<16xf32>,
    }
    %scan3A_90 = arith.constant 20 : i32
    %scan3A_91 = arith.constant 0 : i32
    %scan3A_92 = arith.constant 16 : i32
    %scan3A_93 = arith.addi %scan3A_91, %scan3A_92 : i32
    %scan3A_94 = arith.constant 1 : i32
    scf.for %scan3A_133 = %scan3A_91 to %scan3A_93 step %scan3A_94  : i32 {
      %mul3A_134 = arith.constant 1 : i32
      %mul3A_135 = arith.muli %scan3A_133, %mul3A_134 : i32
      %add3A_136 = arith.constant 0 : i32
      %add3A_137 = arith.addi %add3A_136, %mul3A_135 : i32
      %mul3A_138 = arith.constant 16 : i32
      %mul3A_139 = arith.muli %add3A_137, %mul3A_138 : i32
      %add3A_140 = arith.constant 4 : i32
      %add3A_141 = arith.addi %add3A_137, %add3A_140 : i32
      %mul3A_142 = arith.constant 16 : i32
      %mul3A_143 = arith.muli %add3A_141, %mul3A_142 : i32
      %get3A = arith.index_cast %mul3A_139 : i32 to index
      %get3A_144 = tpu.vector_load %arg12[%get3A] {strides = array<i32>} : memref<320xi32, #tpu.memory_space<vmem>>, vector<16xi32>,
      %get3A_145 = arith.index_cast %mul3A_139 : i32 to index
      %get3A_146 = tpu.vector_load %arg13[%get3A_145] {strides = array<i32>} : memref<320xi32, #tpu.memory_space<vmem>>, vector<16xi32>,
      %get3A_147 = arith.index_cast %mul3A_143 : i32 to index
      %get3A_148 = tpu.vector_load %arg12[%get3A_147] {strides = array<i32>} : memref<320xi32, #tpu.memory_space<vmem>>, vector<16xi32>,
      %get3A_149 = arith.index_cast %mul3A_143 : i32 to index
      %get3A_150 = tpu.vector_load %arg13[%get3A_149] {strides = array<i32>} : memref<320xi32, #tpu.memory_space<vmem>>, vector<16xi32>,
      %ne3A_151 = arith.cmpi ne, %get3A_144, %get3A_148 : vector<16xi32>
      %get3A_152 = arith.index_cast %mul3A_139 : i32 to index
      %get3A_153 = tpu.vector_load %arg22[%get3A_152] {strides = array<i32>} : memref<320xf32, #tpu.memory_space<vmem>>, vector<16xf32>,
      %jit3A_154 = arith.constant 0.000000e+00 : f32
      %broadcast_in_dim3A_155 = vector.broadcast %jit3A_154 : f32 to vector<16xf32>
      %select_n3A_156 = arith.select %ne3A_151, %get3A_153, %broadcast_in_dim3A_155 : vector<16xi1>, vector<16xf32>
      %swap3A_157 = arith.index_cast %mul3A_139 : i32 to index
      %swap3A_158 = tpu.vector_load %arg22[%swap3A_157] {strides = array<i32>} : memref<320xf32, #tpu.memory_space<vmem>>, vector<16xf32>,
      tpu.vector_store %arg22[%swap3A_157], %select_n3A_156 {strides = array<i32>} : memref<320xf32, #tpu.memory_space<vmem>>, vector<16xf32>,
      %ne3A_159 = arith.cmpi ne, %get3A_146, %get3A_150 : vector<16xi32>
      %get3A_160 = arith.index_cast %mul3A_139 : i32 to index
      %get3A_161 = tpu.vector_load %arg23[%get3A_160] {strides = array<i32>} : memref<320xf32, #tpu.memory_space<vmem>>, vector<16xf32>,
      %jit3A_162 = arith.constant 0.000000e+00 : f32
      %broadcast_in_dim3A_163 = vector.broadcast %jit3A_162 : f32 to vector<16xf32>
      %select_n3A_164 = arith.select %ne3A_159, %get3A_161, %broadcast_in_dim3A_163 : vector<16xi1>, vector<16xf32>
      %swap3A_165 = arith.index_cast %mul3A_139 : i32 to index
      %swap3A_166 = tpu.vector_load %arg23[%swap3A_165] {strides = array<i32>} : memref<320xf32, #tpu.memory_space<vmem>>, vector<16xf32>,
      tpu.vector_store %arg23[%swap3A_165], %select_n3A_164 {strides = array<i32>} : memref<320xf32, #tpu.memory_space<vmem>>, vector<16xf32>,
    }
    %scan3A_95 = arith.constant 16 : i32
    %scan3A_96 = arith.constant 0 : i32
    %scan3A_97 = arith.constant 12 : i32
    %scan3A_98 = arith.addi %scan3A_96, %scan3A_97 : i32
    %scan3A_99 = arith.constant 1 : i32
    scf.for %scan3A_133 = %scan3A_96 to %scan3A_98 step %scan3A_99  : i32 {
      %mul3A_134 = arith.constant 1 : i32
      %mul3A_135 = arith.muli %scan3A_133, %mul3A_134 : i32
      %add3A_136 = arith.constant 0 : i32
      %add3A_137 = arith.addi %add3A_136, %mul3A_135 : i32
      %mul3A_138 = arith.constant 16 : i32
      %mul3A_139 = arith.muli %add3A_137, %mul3A_138 : i32
      %add3A_140 = arith.constant 8 : i32
      %add3A_141 = arith.addi %add3A_137, %add3A_140 : i32
      %mul3A_142 = arith.constant 16 : i32
      %mul3A_143 = arith.muli %add3A_141, %mul3A_142 : i32
      %get3A = arith.index_cast %mul3A_139 : i32 to index
      %get3A_144 = tpu.vector_load %arg12[%get3A] {strides = array<i32>} : memref<320xi32, #tpu.memory_space<vmem>>, vector<16xi32>,
      %get3A_145 = arith.index_cast %mul3A_139 : i32 to index
      %get3A_146 = tpu.vector_load %arg13[%get3A_145] {strides = array<i32>} : memref<320xi32, #tpu.memory_space<vmem>>, vector<16xi32>,
      %get3A_147 = arith.index_cast %mul3A_143 : i32 to index
      %get3A_148 = tpu.vector_load %arg12[%get3A_147] {strides = array<i32>} : memref<320xi32, #tpu.memory_space<vmem>>, vector<16xi32>,
      %get3A_149 = arith.index_cast %mul3A_143 : i32 to index
      %get3A_150 = tpu.vector_load %arg13[%get3A_149] {strides = array<i32>} : memref<320xi32, #tpu.memory_space<vmem>>, vector<16xi32>,
      %ne3A_151 = arith.cmpi ne, %get3A_144, %get3A_148 : vector<16xi32>
      %get3A_152 = arith.index_cast %mul3A_139 : i32 to index
      %get3A_153 = tpu.vector_load %arg22[%get3A_152] {strides = array<i32>} : memref<320xf32, #tpu.memory_space<vmem>>, vector<16xf32>,
      %jit3A_154 = arith.constant 0.000000e+00 : f32
      %broadcast_in_dim3A_155 = vector.broadcast %jit3A_154 : f32 to vector<16xf32>
      %select_n3A_156 = arith.select %ne3A_151, %get3A_153, %broadcast_in_dim3A_155 : vector<16xi1>, vector<16xf32>
      %swap3A_157 = arith.index_cast %mul3A_139 : i32 to index
      %swap3A_158 = tpu.vector_load %arg22[%swap3A_157] {strides = array<i32>} : memref<320xf32, #tpu.memory_space<vmem>>, vector<16xf32>,
      tpu.vector_store %arg22[%swap3A_157], %select_n3A_156 {strides = array<i32>} : memref<320xf32, #tpu.memory_space<vmem>>, vector<16xf32>,
      %ne3A_159 = arith.cmpi ne, %get3A_146, %get3A_150 : vector<16xi32>
      %get3A_160 = arith.index_cast %mul3A_139 : i32 to index
      %get3A_161 = tpu.vector_load %arg23[%get3A_160] {strides = array<i32>} : memref<320xf32, #tpu.memory_space<vmem>>, vector<16xf32>,
      %jit3A_162 = arith.constant 0.000000e+00 : f32
      %broadcast_in_dim3A_163 = vector.broadcast %jit3A_162 : f32 to vector<16xf32>
      %select_n3A_164 = arith.select %ne3A_159, %get3A_161, %broadcast_in_dim3A_163 : vector<16xi1>, vector<16xf32>
      %swap3A_165 = arith.index_cast %mul3A_139 : i32 to index
      %swap3A_166 = tpu.vector_load %arg23[%swap3A_165] {strides = array<i32>} : memref<320xf32, #tpu.memory_space<vmem>>, vector<16xf32>,
      tpu.vector_store %arg23[%swap3A_165], %select_n3A_164 {strides = array<i32>} : memref<320xf32, #tpu.memory_space<vmem>>, vector<16xf32>,
    }
    %scan3A_100 = arith.constant 12 : i32
    %scan3A_101 = arith.constant 0 : i32
    %scan3A_102 = arith.constant 8 : i32
    %scan3A_103 = arith.addi %scan3A_101, %scan3A_102 : i32
    %scan3A_104 = arith.constant 1 : i32
    scf.for %scan3A_133 = %scan3A_101 to %scan3A_103 step %scan3A_104  : i32 {
      %mul3A_134 = arith.constant 1 : i32
      %mul3A_135 = arith.muli %scan3A_133, %mul3A_134 : i32
      %add3A_136 = arith.constant 0 : i32
      %add3A_137 = arith.addi %add3A_136, %mul3A_135 : i32
      %mul3A_138 = arith.constant 16 : i32
      %mul3A_139 = arith.muli %add3A_137, %mul3A_138 : i32
      %add3A_140 = arith.constant 12 : i32
      %add3A_141 = arith.addi %add3A_137, %add3A_140 : i32
      %mul3A_142 = arith.constant 16 : i32
      %mul3A_143 = arith.muli %add3A_141, %mul3A_142 : i32
      %get3A = arith.index_cast %mul3A_139 : i32 to index
      %get3A_144 = tpu.vector_load %arg12[%get3A] {strides = array<i32>} : memref<320xi32, #tpu.memory_space<vmem>>, vector<16xi32>,
      %get3A_145 = arith.index_cast %mul3A_139 : i32 to index
      %get3A_146 = tpu.vector_load %arg13[%get3A_145] {strides = array<i32>} : memref<320xi32, #tpu.memory_space<vmem>>, vector<16xi32>,
      %get3A_147 = arith.index_cast %mul3A_143 : i32 to index
      %get3A_148 = tpu.vector_load %arg12[%get3A_147] {strides = array<i32>} : memref<320xi32, #tpu.memory_space<vmem>>, vector<16xi32>,
      %get3A_149 = arith.index_cast %mul3A_143 : i32 to index
      %get3A_150 = tpu.vector_load %arg13[%get3A_149] {strides = array<i32>} : memref<320xi32, #tpu.memory_space<vmem>>, vector<16xi32>,
      %ne3A_151 = arith.cmpi ne, %get3A_144, %get3A_148 : vector<16xi32>
      %get3A_152 = arith.index_cast %mul3A_139 : i32 to index
      %get3A_153 = tpu.vector_load %arg22[%get3A_152] {strides = array<i32>} : memref<320xf32, #tpu.memory_space<vmem>>, vector<16xf32>,
      %jit3A_154 = arith.constant 0.000000e+00 : f32
      %broadcast_in_dim3A_155 = vector.broadcast %jit3A_154 : f32 to vector<16xf32>
      %select_n3A_156 = arith.select %ne3A_151, %get3A_153, %broadcast_in_dim3A_155 : vector<16xi1>, vector<16xf32>
      %swap3A_157 = arith.index_cast %mul3A_139 : i32 to index
      %swap3A_158 = tpu.vector_load %arg22[%swap3A_157] {strides = array<i32>} : memref<320xf32, #tpu.memory_space<vmem>>, vector<16xf32>,
      tpu.vector_store %arg22[%swap3A_157], %select_n3A_156 {strides = array<i32>} : memref<320xf32, #tpu.memory_space<vmem>>, vector<16xf32>,
      %ne3A_159 = arith.cmpi ne, %get3A_146, %get3A_150 : vector<16xi32>
      %get3A_160 = arith.index_cast %mul3A_139 : i32 to index
      %get3A_161 = tpu.vector_load %arg23[%get3A_160] {strides = array<i32>} : memref<320xf32, #tpu.memory_space<vmem>>, vector<16xf32>,
      %jit3A_162 = arith.constant 0.000000e+00 : f32
      %broadcast_in_dim3A_163 = vector.broadcast %jit3A_162 : f32 to vector<16xf32>
      %select_n3A_164 = arith.select %ne3A_159, %get3A_161, %broadcast_in_dim3A_163 : vector<16xi1>, vector<16xf32>
      %swap3A_165 = arith.index_cast %mul3A_139 : i32 to index
      %swap3A_166 = tpu.vector_load %arg23[%swap3A_165] {strides = array<i32>} : memref<320xf32, #tpu.memory_space<vmem>>, vector<16xf32>,
      tpu.vector_store %arg23[%swap3A_165], %select_n3A_164 {strides = array<i32>} : memref<320xf32, #tpu.memory_space<vmem>>, vector<16xf32>,
    }
    %scan3A_105 = arith.constant 8 : i32
    %scan3A_106 = arith.constant 0 : i32
    %scan3A_107 = arith.constant 4 : i32
    %scan3A_108 = arith.addi %scan3A_106, %scan3A_107 : i32
    %scan3A_109 = arith.constant 1 : i32
    scf.for %scan3A_133 = %scan3A_106 to %scan3A_108 step %scan3A_109  : i32 {
      %mul3A_134 = arith.constant 1 : i32
      %mul3A_135 = arith.muli %scan3A_133, %mul3A_134 : i32
      %add3A_136 = arith.constant 0 : i32
      %add3A_137 = arith.addi %add3A_136, %mul3A_135 : i32
      %mul3A_138 = arith.constant 16 : i32
      %mul3A_139 = arith.muli %add3A_137, %mul3A_138 : i32
      %add3A_140 = arith.constant 16 : i32
      %add3A_141 = arith.addi %add3A_137, %add3A_140 : i32
      %mul3A_142 = arith.constant 16 : i32
      %mul3A_143 = arith.muli %add3A_141, %mul3A_142 : i32
      %get3A = arith.index_cast %mul3A_139 : i32 to index
      %get3A_144 = tpu.vector_load %arg12[%get3A] {strides = array<i32>} : memref<320xi32, #tpu.memory_space<vmem>>, vector<16xi32>,
      %get3A_145 = arith.index_cast %mul3A_139 : i32 to index
      %get3A_146 = tpu.vector_load %arg13[%get3A_145] {strides = array<i32>} : memref<320xi32, #tpu.memory_space<vmem>>, vector<16xi32>,
      %get3A_147 = arith.index_cast %mul3A_143 : i32 to index
      %get3A_148 = tpu.vector_load %arg12[%get3A_147] {strides = array<i32>} : memref<320xi32, #tpu.memory_space<vmem>>, vector<16xi32>,
      %get3A_149 = arith.index_cast %mul3A_143 : i32 to index
      %get3A_150 = tpu.vector_load %arg13[%get3A_149] {strides = array<i32>} : memref<320xi32, #tpu.memory_space<vmem>>, vector<16xi32>,
      %ne3A_151 = arith.cmpi ne, %get3A_144, %get3A_148 : vector<16xi32>
      %get3A_152 = arith.index_cast %mul3A_139 : i32 to index
      %get3A_153 = tpu.vector_load %arg22[%get3A_152] {strides = array<i32>} : memref<320xf32, #tpu.memory_space<vmem>>, vector<16xf32>,
      %jit3A_154 = arith.constant 0.000000e+00 : f32
      %broadcast_in_dim3A_155 = vector.broadcast %jit3A_154 : f32 to vector<16xf32>
      %select_n3A_156 = arith.select %ne3A_151, %get3A_153, %broadcast_in_dim3A_155 : vector<16xi1>, vector<16xf32>
      %swap3A_157 = arith.index_cast %mul3A_139 : i32 to index
      %swap3A_158 = tpu.vector_load %arg22[%swap3A_157] {strides = array<i32>} : memref<320xf32, #tpu.memory_space<vmem>>, vector<16xf32>,
      tpu.vector_store %arg22[%swap3A_157], %select_n3A_156 {strides = array<i32>} : memref<320xf32, #tpu.memory_space<vmem>>, vector<16xf32>,
      %ne3A_159 = arith.cmpi ne, %get3A_146, %get3A_150 : vector<16xi32>
      %get3A_160 = arith.index_cast %mul3A_139 : i32 to index
      %get3A_161 = tpu.vector_load %arg23[%get3A_160] {strides = array<i32>} : memref<320xf32, #tpu.memory_space<vmem>>, vector<16xf32>,
      %jit3A_162 = arith.constant 0.000000e+00 : f32
      %broadcast_in_dim3A_163 = vector.broadcast %jit3A_162 : f32 to vector<16xf32>
      %select_n3A_164 = arith.select %ne3A_159, %get3A_161, %broadcast_in_dim3A_163 : vector<16xi1>, vector<16xf32>
      %swap3A_165 = arith.index_cast %mul3A_139 : i32 to index
      %swap3A_166 = tpu.vector_load %arg23[%swap3A_165] {strides = array<i32>} : memref<320xf32, #tpu.memory_space<vmem>>, vector<16xf32>,
      tpu.vector_store %arg23[%swap3A_165], %select_n3A_164 {strides = array<i32>} : memref<320xf32, #tpu.memory_space<vmem>>, vector<16xf32>,
    }
    %scan3A_110 = arith.constant 4 : i32
    %dma_wait3A_111 = arith.constant 0 : i32
    %dma_wait3A_112 = tpu.memref_slice %arg4[%dma_wait3A_111] : memref<100352xf32, #tpu.memory_space<hbm>> -> memref<100352xf32, #tpu.memory_space<hbm>>
    tpu.wait_indirect_dma semaphore(%arg31 : memref<!tpu.dma_semaphore, #tpu.memory_space<semaphore_mem>>) src(%dma_wait3A_112 : memref<100352xf32, #tpu.memory_space<hbm>>) dst(%arg24 : memref<320xf32, #tpu.memory_space<vmem>>)
    %dma_wait3A_113 = arith.constant 0 : i32
    %dma_wait3A_114 = tpu.memref_slice %arg5[%dma_wait3A_113] : memref<2007040xf32, #tpu.memory_space<hbm>> -> memref<2007040xf32, #tpu.memory_space<hbm>>
    tpu.wait_indirect_dma semaphore(%arg31 : memref<!tpu.dma_semaphore, #tpu.memory_space<semaphore_mem>>) src(%dma_wait3A_114 : memref<2007040xf32, #tpu.memory_space<hbm>>) dst(%arg25 : memref<320xf32, #tpu.memory_space<vmem>>)
    %dma_wait3A_115 = arith.constant 0 : i32
    %dma_wait3A_116 = tpu.memref_slice %arg6[%dma_wait3A_115] : memref<200704xf32, #tpu.memory_space<hbm>> -> memref<200704xf32, #tpu.memory_space<hbm>>
    tpu.wait_indirect_dma semaphore(%arg31 : memref<!tpu.dma_semaphore, #tpu.memory_space<semaphore_mem>>) src(%dma_wait3A_116 : memref<200704xf32, #tpu.memory_space<hbm>>) dst(%arg26 : memref<320xf32, #tpu.memory_space<vmem>>)
    %dma_wait3A_117 = arith.constant 0 : i32
    %dma_wait3A_118 = tpu.memref_slice %arg6[%dma_wait3A_117] : memref<200704xf32, #tpu.memory_space<hbm>> -> memref<200704xf32, #tpu.memory_space<hbm>>
    tpu.wait_indirect_dma semaphore(%arg31 : memref<!tpu.dma_semaphore, #tpu.memory_space<semaphore_mem>>) src(%dma_wait3A_118 : memref<200704xf32, #tpu.memory_space<hbm>>) dst(%arg27 : memref<320xf32, #tpu.memory_space<vmem>>)
    %dma_wait3A_119 = arith.constant 0 : i32
    %dma_wait3A_120 = tpu.memref_slice %arg7[%dma_wait3A_119] : memref<702464xf32, #tpu.memory_space<hbm>> -> memref<702464xf32, #tpu.memory_space<hbm>>
    tpu.wait_indirect_dma semaphore(%arg31 : memref<!tpu.dma_semaphore, #tpu.memory_space<semaphore_mem>>) src(%dma_wait3A_120 : memref<702464xf32, #tpu.memory_space<hbm>>) dst(%arg28 : memref<320xf32, #tpu.memory_space<vmem>>)
    %dma_wait3A_121 = arith.constant 0 : i32
    %dma_wait3A_122 = tpu.memref_slice %arg8[%dma_wait3A_121] : memref<702464xf32, #tpu.memory_space<hbm>> -> memref<702464xf32, #tpu.memory_space<hbm>>
    tpu.wait_indirect_dma semaphore(%arg31 : memref<!tpu.dma_semaphore, #tpu.memory_space<semaphore_mem>>) src(%dma_wait3A_122 : memref<702464xf32, #tpu.memory_space<hbm>>) dst(%arg29 : memref<320xf32, #tpu.memory_space<vmem>>)
    %broadcast_in_dim3A_123 = arith.constant 0.000000e+00 : f32
    %broadcast_in_dim3A_124 = vector.broadcast %broadcast_in_dim3A_123 : f32 to vector<16xf32>
    %swap3A = arith.constant 0 : index
    %swap3A_125 = tpu.vector_load %arg30[%swap3A] {strides = array<i32>} : memref<16xf32, #tpu.memory_space<vmem>>, vector<16xf32>,
    tpu.vector_store %arg30[%swap3A], %broadcast_in_dim3A_124 {strides = array<i32>} : memref<16xf32, #tpu.memory_space<vmem>>, vector<16xf32>,
    %scan3A_126 = arith.constant 0 : i32
    %scan3A_127 = arith.constant 20 : i32
    %scan3A_128 = arith.addi %scan3A_126, %scan3A_127 : i32
    %scan3A_129 = arith.constant 1 : i32
    scf.for %scan3A_133 = %scan3A_126 to %scan3A_128 step %scan3A_129  : i32 {
      %mul3A_134 = arith.constant 1 : i32
      %mul3A_135 = arith.muli %scan3A_133, %mul3A_134 : i32
      %add3A_136 = arith.constant 0 : i32
      %add3A_137 = arith.addi %add3A_136, %mul3A_135 : i32
      %mul3A_138 = arith.constant 16 : i32
      %mul3A_139 = arith.muli %add3A_137, %mul3A_138 : i32
      %get3A = arith.index_cast %mul3A_139 : i32 to index
      %get3A_140 = tpu.vector_load %arg22[%get3A] {strides = array<i32>} : memref<320xf32, #tpu.memory_space<vmem>>, vector<16xf32>,
      %get3A_141 = arith.index_cast %mul3A_139 : i32 to index
      %get3A_142 = tpu.vector_load %arg23[%get3A_141] {strides = array<i32>} : memref<320xf32, #tpu.memory_space<vmem>>, vector<16xf32>,
      %get3A_143 = arith.index_cast %mul3A_139 : i32 to index
      %get3A_144 = tpu.vector_load %arg14[%get3A_143] {strides = array<i32>} : memref<320xf32, #tpu.memory_space<vmem>>, vector<16xf32>,
      %get3A_145 = arith.index_cast %mul3A_139 : i32 to index
      %get3A_146 = tpu.vector_load %arg15[%get3A_145] {strides = array<i32>} : memref<320xf32, #tpu.memory_space<vmem>>, vector<16xf32>,
      %get3A_147 = arith.index_cast %mul3A_139 : i32 to index
      %get3A_148 = tpu.vector_load %arg24[%get3A_147] {strides = array<i32>} : memref<320xf32, #tpu.memory_space<vmem>>, vector<16xf32>,
      %mul3A_149 = arith.constant 1.99298465E-5 : f32
      %mul3A_150 = vector.broadcast %mul3A_149 : f32 to vector<16xf32>
      %mul3A_151 = arith.mulf %mul3A_150, %get3A_148 : vector<16xf32>
      %sub3A_152 = arith.constant 9.96492326E-6 : f32
      %sub3A_153 = vector.broadcast %sub3A_152 : f32 to vector<16xf32>
      %sub3A_154 = arith.subf %sub3A_153, %mul3A_151 : vector<16xf32>
      %mul3A_155 = arith.mulf %get3A_140, %sub3A_154 : vector<16xf32>
      %get3A_156 = arith.index_cast %mul3A_139 : i32 to index
      %get3A_157 = tpu.vector_load %arg25[%get3A_156] {strides = array<i32>} : memref<320xf32, #tpu.memory_space<vmem>>, vector<16xf32>,
      %mul3A_158 = arith.constant 9.96492304E-7 : f32
      %mul3A_159 = vector.broadcast %mul3A_158 : f32 to vector<16xf32>
      %mul3A_160 = arith.mulf %mul3A_159, %get3A_157 : vector<16xf32>
      %sub3A_161 = arith.constant 4.98246152E-7 : f32
      %sub3A_162 = vector.broadcast %sub3A_161 : f32 to vector<16xf32>
      %sub3A_163 = arith.subf %sub3A_162, %mul3A_160 : vector<16xf32>
      %mul3A_164 = arith.mulf %get3A_142, %sub3A_163 : vector<16xf32>
      %add3A_165 = arith.addf %mul3A_155, %mul3A_164 : vector<16xf32>
      %mul3A_166 = arith.constant 4.98246163E-6 : f32
      %mul3A_167 = vector.broadcast %mul3A_166 : f32 to vector<16xf32>
      %mul3A_168 = arith.mulf %get3A_140, %mul3A_167 : vector<16xf32>
      %mul3A_169 = arith.mulf %get3A_144, %get3A_144 : vector<16xf32>
      %mul3A_170 = arith.constant 2.000000e+00 : f32
      %mul3A_171 = vector.broadcast %mul3A_170 : f32 to vector<16xf32>
      %mul3A_172 = arith.mulf %mul3A_171, %get3A_144 : vector<16xf32>
      %get3A_173 = arith.index_cast %mul3A_139 : i32 to index
      %get3A_174 = tpu.vector_load %arg26[%get3A_173] {strides = array<i32>} : memref<320xf32, #tpu.memory_space<vmem>>, vector<16xf32>,
      %mul3A_175 = arith.mulf %mul3A_172, %get3A_174 : vector<16xf32>
      %sub3A_176 = arith.subf %mul3A_169, %mul3A_175 : vector<16xf32>
      %mul3A_177 = arith.mulf %get3A_146, %get3A_146 : vector<16xf32>
      %add3A_178 = arith.addf %sub3A_176, %mul3A_177 : vector<16xf32>
      %mul3A_179 = arith.constant 2.000000e+00 : f32
      %mul3A_180 = vector.broadcast %mul3A_179 : f32 to vector<16xf32>
      %mul3A_181 = arith.mulf %mul3A_180, %get3A_146 : vector<16xf32>
      %get3A_182 = arith.index_cast %mul3A_139 : i32 to index
      %get3A_183 = tpu.vector_load %arg27[%get3A_182] {strides = array<i32>} : memref<320xf32, #tpu.memory_space<vmem>>, vector<16xf32>,
      %mul3A_184 = arith.mulf %mul3A_181, %get3A_183 : vector<16xf32>
      %sub3A_185 = arith.subf %add3A_178, %mul3A_184 : vector<16xf32>
      %mul3A_186 = arith.mulf %mul3A_168, %sub3A_185 : vector<16xf32>
      %add3A_187 = arith.addf %add3A_165, %mul3A_186 : vector<16xf32>
      %mul3A_188 = arith.constant 1.42356055E-6 : f32
      %mul3A_189 = vector.broadcast %mul3A_188 : f32 to vector<16xf32>
      %mul3A_190 = arith.mulf %get3A_140, %mul3A_189 : vector<16xf32>
      %get3A_191 = arith.index_cast %mul3A_139 : i32 to index
      %get3A_192 = tpu.vector_load %arg28[%get3A_191] {strides = array<i32>} : memref<320xf32, #tpu.memory_space<vmem>>, vector<16xf32>,
      %get3A_193 = arith.index_cast %mul3A_139 : i32 to index
      %get3A_194 = tpu.vector_load %arg29[%get3A_193] {strides = array<i32>} : memref<320xf32, #tpu.memory_space<vmem>>, vector<16xf32>,
      %add3A_195 = arith.addf %get3A_192, %get3A_194 : vector<16xf32>
      %mul3A_196 = arith.constant 2.000000e+00 : f32
      %mul3A_197 = vector.broadcast %mul3A_196 : f32 to vector<16xf32>
      %mul3A_198 = arith.mulf %mul3A_197, %add3A_195 : vector<16xf32>
      %sub3A_199 = arith.constant 2.000000e+00 : f32
      %sub3A_200 = vector.broadcast %sub3A_199 : f32 to vector<16xf32>
      %sub3A_201 = arith.subf %sub3A_200, %mul3A_198 : vector<16xf32>
      %mul3A_202 = arith.mulf %mul3A_190, %sub3A_201 : vector<16xf32>
      %add3A_203 = arith.addf %add3A_187, %mul3A_202 : vector<16xf32>
      %get3A_204 = arith.constant 0 : index
      %get3A_205 = tpu.vector_load %arg30[%get3A_204] {strides = array<i32>} : memref<16xf32, #tpu.memory_space<vmem>>, vector<16xf32>,
      %add3A_206 = arith.addf %get3A_205, %add3A_203 : vector<16xf32>
      %swap3A_207 = arith.constant 0 : index
      %swap3A_208 = tpu.vector_load %arg30[%swap3A_207] {strides = array<i32>} : memref<16xf32, #tpu.memory_space<vmem>>, vector<16xf32>,
      tpu.vector_store %arg30[%swap3A_207], %add3A_206 {strides = array<i32>} : memref<16xf32, #tpu.memory_space<vmem>>, vector<16xf32>,
    }
    %scan3A_130 = arith.constant 20 : i32
    %mul3A_131 = arith.constant 16 : i32
    %mul3A_132 = arith.muli %add3A, %mul3A_131 : i32
    "tpu.region"() ({
      %run_scoped3A = tpu.sem_alloc : memref<!tpu.dma_semaphore, #tpu.memory_space<semaphore_mem>>
      %dma_start3A_133 = tpu.memref_slice %arg9[%mul3A_132] : memref<512xf32, #tpu.memory_space<hbm>> -> memref<16xf32, #tpu.memory_space<hbm>>
      %dma_start3A_134 = tpu.memref_slice %arg9[%mul3A_132] : memref<512xf32, #tpu.memory_space<hbm>> -> memref<16xf32, #tpu.memory_space<hbm>>
      tpu.enqueue_dma source(%arg30 : memref<16xf32, #tpu.memory_space<vmem>>) target(%dma_start3A_134 : memref<16xf32, #tpu.memory_space<hbm>>) target_semaphore(%run_scoped3A : memref<!tpu.dma_semaphore, #tpu.memory_space<semaphore_mem>>)
      %dma_wait3A_135 = tpu.memref_slice %arg9[%mul3A_132] : memref<512xf32, #tpu.memory_space<hbm>> -> memref<16xf32, #tpu.memory_space<hbm>>
      %dma_wait3A_136 = tpu.memref_slice %arg9[%mul3A_132] : memref<512xf32, #tpu.memory_space<hbm>> -> memref<16xf32, #tpu.memory_space<hbm>>
      tpu.wait_dma2 semaphore(%run_scoped3A : memref<!tpu.dma_semaphore, #tpu.memory_space<semaphore_mem>>) src(%arg30 : memref<16xf32, #tpu.memory_space<vmem>>) dst(%dma_wait3A_136 : memref<16xf32, #tpu.memory_space<hbm>>)
      tpu.yield
    }) : () -> ()
    return
  }
}

module attributes {stable_mosaic.version = 14 : i64} {
  func.func @_tc_body(%arg0: i32, %arg1: memref<784x128xf32, #tpu.memory_space<vmem>>, %arg2: memref<15680x128xf32, #tpu.memory_space<vmem>>, %arg3: memref<1568x128xf32, #tpu.memory_space<vmem>>, %arg4: memref<5488x128xf32, #tpu.memory_space<vmem>>, %arg5: memref<5488x128xf32, #tpu.memory_space<vmem>>, %arg6: memref<1x1xf32, #tpu.memory_space<smem>>) attributes {dimension_semantics = [#tpu.dimension_semantics<arbitrary>], iteration_bounds = array<i64: 1>, scalar_prefetch = 0 : i64, scratch_operands = 0 : i64, tpu.core_type = #tpu.core_type<tc>, window_params = [{transform_indices = @transform_0, window_bounds = array<i64: 784, 128>}, {transform_indices = @transform_1, window_bounds = array<i64: 15680, 128>}, {transform_indices = @transform_2, window_bounds = array<i64: 1568, 128>}, {transform_indices = @transform_3, window_bounds = array<i64: 5488, 128>}, {transform_indices = @transform_4, window_bounds = array<i64: 5488, 128>}, {transform_indices = @transform_5, window_bounds = array<i64: 1, 1>}]} {
    %get3A = arith.constant 0 : index
    %get3A_0 = arith.constant 0 : index
    %get3A_1 = vector.load %arg1[%get3A, %get3A_0] : memref<784x128xf32, #tpu.memory_space<vmem>>, vector<784x128xf32>
    %get3A_2 = arith.constant 0 : index
    %get3A_3 = arith.constant 0 : index
    %get3A_4 = vector.load %arg1[%get3A_2, %get3A_3] : memref<784x128xf32, #tpu.memory_space<vmem>>, vector<784x128xf32>
    %mul3A = arith.mulf %get3A_1, %get3A_4 : vector<784x128xf32>
    %reduce_sum3A = vector.shape_cast %mul3A : vector<784x128xf32> to vector<1x784x128xf32>
    %reduce_sum3A_5 = arith.constant dense<0.000000e+00> : vector<1xf32>
    %reduce_sum3A_6 = vector.multi_reduction <add>, %reduce_sum3A, %reduce_sum3A_5 [1, 2] : vector<1x784x128xf32> to vector<1xf32>
    %reduce_sum3A_7 = vector.shape_cast %reduce_sum3A_6 : vector<1xf32> to vector<1x1x1xf32>
    %reduce_sum3A_8 = vector.extract %reduce_sum3A_7[0, 0, 0] : f32 from vector<1x1x1xf32>
    %mul3A_9 = arith.constant 9.96492326E-6 : f32
    %mul3A_10 = arith.mulf %reduce_sum3A_8, %mul3A_9 : f32
    %get3A_11 = arith.constant 0 : index
    %get3A_12 = arith.constant 0 : index
    %get3A_13 = vector.load %arg2[%get3A_11, %get3A_12] : memref<15680x128xf32, #tpu.memory_space<vmem>>, vector<15680x128xf32>
    %get3A_14 = arith.constant 0 : index
    %get3A_15 = arith.constant 0 : index
    %get3A_16 = vector.load %arg2[%get3A_14, %get3A_15] : memref<15680x128xf32, #tpu.memory_space<vmem>>, vector<15680x128xf32>
    %mul3A_17 = arith.mulf %get3A_13, %get3A_16 : vector<15680x128xf32>
    %reduce_sum3A_18 = vector.shape_cast %mul3A_17 : vector<15680x128xf32> to vector<1x15680x128xf32>
    %reduce_sum3A_19 = arith.constant dense<0.000000e+00> : vector<1xf32>
    %reduce_sum3A_20 = vector.multi_reduction <add>, %reduce_sum3A_18, %reduce_sum3A_19 [1, 2] : vector<1x15680x128xf32> to vector<1xf32>
    %reduce_sum3A_21 = vector.shape_cast %reduce_sum3A_20 : vector<1xf32> to vector<1x1x1xf32>
    %reduce_sum3A_22 = vector.extract %reduce_sum3A_21[0, 0, 0] : f32 from vector<1x1x1xf32>
    %mul3A_23 = arith.constant 4.98246152E-7 : f32
    %mul3A_24 = arith.mulf %reduce_sum3A_22, %mul3A_23 : f32
    %add3A = arith.addf %mul3A_10, %mul3A_24 : f32
    %get3A_25 = arith.constant 0 : index
    %get3A_26 = arith.constant 0 : index
    %get3A_27 = vector.load %arg3[%get3A_25, %get3A_26] : memref<1568x128xf32, #tpu.memory_space<vmem>>, vector<1568x128xf32>
    %get3A_28 = arith.constant 0 : index
    %get3A_29 = arith.constant 0 : index
    %get3A_30 = vector.load %arg3[%get3A_28, %get3A_29] : memref<1568x128xf32, #tpu.memory_space<vmem>>, vector<1568x128xf32>
    %mul3A_31 = arith.mulf %get3A_27, %get3A_30 : vector<1568x128xf32>
    %reduce_sum3A_32 = vector.shape_cast %mul3A_31 : vector<1568x128xf32> to vector<1x1568x128xf32>
    %reduce_sum3A_33 = arith.constant dense<0.000000e+00> : vector<1xf32>
    %reduce_sum3A_34 = vector.multi_reduction <add>, %reduce_sum3A_32, %reduce_sum3A_33 [1, 2] : vector<1x1568x128xf32> to vector<1xf32>
    %reduce_sum3A_35 = vector.shape_cast %reduce_sum3A_34 : vector<1xf32> to vector<1x1x1xf32>
    %reduce_sum3A_36 = vector.extract %reduce_sum3A_35[0, 0, 0] : f32 from vector<1x1x1xf32>
    %mul3A_37 = arith.constant 4.98246163E-6 : f32
    %mul3A_38 = arith.mulf %reduce_sum3A_36, %mul3A_37 : f32
    %add3A_39 = arith.addf %add3A, %mul3A_38 : f32
    %get3A_40 = arith.constant 0 : index
    %get3A_41 = arith.constant 0 : index
    %get3A_42 = vector.load %arg4[%get3A_40, %get3A_41] : memref<5488x128xf32, #tpu.memory_space<vmem>>, vector<5488x128xf32>
    %get3A_43 = arith.constant 0 : index
    %get3A_44 = arith.constant 0 : index
    %get3A_45 = vector.load %arg4[%get3A_43, %get3A_44] : memref<5488x128xf32, #tpu.memory_space<vmem>>, vector<5488x128xf32>
    %mul3A_46 = arith.mulf %get3A_42, %get3A_45 : vector<5488x128xf32>
    %reduce_sum3A_47 = vector.shape_cast %mul3A_46 : vector<5488x128xf32> to vector<1x5488x128xf32>
    %reduce_sum3A_48 = arith.constant dense<0.000000e+00> : vector<1xf32>
    %reduce_sum3A_49 = vector.multi_reduction <add>, %reduce_sum3A_47, %reduce_sum3A_48 [1, 2] : vector<1x5488x128xf32> to vector<1xf32>
    %reduce_sum3A_50 = vector.shape_cast %reduce_sum3A_49 : vector<1xf32> to vector<1x1x1xf32>
    %reduce_sum3A_51 = vector.extract %reduce_sum3A_50[0, 0, 0] : f32 from vector<1x1x1xf32>
    %get3A_52 = arith.constant 0 : index
    %get3A_53 = arith.constant 0 : index
    %get3A_54 = vector.load %arg5[%get3A_52, %get3A_53] : memref<5488x128xf32, #tpu.memory_space<vmem>>, vector<5488x128xf32>
    %get3A_55 = arith.constant 0 : index
    %get3A_56 = arith.constant 0 : index
    %get3A_57 = vector.load %arg5[%get3A_55, %get3A_56] : memref<5488x128xf32, #tpu.memory_space<vmem>>, vector<5488x128xf32>
    %mul3A_58 = arith.mulf %get3A_54, %get3A_57 : vector<5488x128xf32>
    %reduce_sum3A_59 = vector.shape_cast %mul3A_58 : vector<5488x128xf32> to vector<1x5488x128xf32>
    %reduce_sum3A_60 = arith.constant dense<0.000000e+00> : vector<1xf32>
    %reduce_sum3A_61 = vector.multi_reduction <add>, %reduce_sum3A_59, %reduce_sum3A_60 [1, 2] : vector<1x5488x128xf32> to vector<1xf32>
    %reduce_sum3A_62 = vector.shape_cast %reduce_sum3A_61 : vector<1xf32> to vector<1x1x1xf32>
    %reduce_sum3A_63 = vector.extract %reduce_sum3A_62[0, 0, 0] : f32 from vector<1x1x1xf32>
    %add3A_64 = arith.addf %reduce_sum3A_51, %reduce_sum3A_63 : f32
    %mul3A_65 = arith.constant 1.42356055E-6 : f32
    %mul3A_66 = arith.mulf %add3A_64, %mul3A_65 : f32
    %add3A_67 = arith.addf %add3A_39, %mul3A_66 : f32
    %eq3A = arith.constant 0 : i32
    %eq3A_68 = arith.cmpi eq, %arg0, %eq3A : i32
    %convert_element_type3A = arith.extui %eq3A_68 : i1 to i32
    %cond3A = arith.constant 0 : i32
    %cond3A_69 = arith.cmpi ne, %convert_element_type3A, %cond3A : i32
    scf.if %cond3A_69 {
      %swap3A_76 = arith.constant 0.000000e+00 : f32
      %swap3A_77 = arith.constant 0 : index
      %swap3A_78 = arith.constant 0 : index
      %swap3A_79 = memref.load %arg6[%swap3A_77, %swap3A_78] : memref<1x1xf32, #tpu.memory_space<smem>>
      memref.store %swap3A_76, %arg6[%swap3A_77, %swap3A_78] : memref<1x1xf32, #tpu.memory_space<smem>>
    } else {
    }
    %get3A_70 = arith.constant 0 : index
    %get3A_71 = arith.constant 0 : index
    %get3A_72 = memref.load %arg6[%get3A_70, %get3A_71] : memref<1x1xf32, #tpu.memory_space<smem>>
    %add3A_73 = arith.addf %get3A_72, %add3A_67 : f32
    %swap3A = arith.constant 0 : index
    %swap3A_74 = arith.constant 0 : index
    %swap3A_75 = memref.load %arg6[%swap3A, %swap3A_74] : memref<1x1xf32, #tpu.memory_space<smem>>
    memref.store %add3A_73, %arg6[%swap3A, %swap3A_74] : memref<1x1xf32, #tpu.memory_space<smem>>
    return
  }
  func.func @transform_0(%arg0: i32) -> (i32, i32) {
    %c0_i32 = arith.constant 0 : i32
    %c0_i32_0 = arith.constant 0 : i32
    return %arg0, %c0_i32 : i32, i32
  }
  func.func @transform_1(%arg0: i32) -> (i32, i32) {
    %c0_i32 = arith.constant 0 : i32
    %c0_i32_0 = arith.constant 0 : i32
    return %arg0, %c0_i32 : i32, i32
  }
  func.func @transform_2(%arg0: i32) -> (i32, i32) {
    %c0_i32 = arith.constant 0 : i32
    %c0_i32_0 = arith.constant 0 : i32
    return %arg0, %c0_i32 : i32, i32
  }
  func.func @transform_3(%arg0: i32) -> (i32, i32) {
    %c0_i32 = arith.constant 0 : i32
    %c0_i32_0 = arith.constant 0 : i32
    return %arg0, %c0_i32 : i32, i32
  }
  func.func @transform_4(%arg0: i32) -> (i32, i32) {
    %c0_i32 = arith.constant 0 : i32
    %c0_i32_0 = arith.constant 0 : i32
    return %arg0, %c0_i32 : i32, i32
  }
  func.func @transform_5(%arg0: i32) -> (i32, i32) {
    %c0_i32 = arith.constant 0 : i32
    %c0_i32_0 = arith.constant 0 : i32
    %c0_i32_1 = arith.constant 0 : i32
    return %c0_i32, %c0_i32_0 : i32, i32
  }
}

</mosaic_0001>

<sc_bundles>
// kernel: kernel.4.cloned.1.call-start
scs
__scs_entry_jumppad:
0x0: {  	(pc) =	sbr.rel $0x88, $3  }
0x1: {  	(tag) =	ssettag $0x0;
	lr =	simm.s32 $0x1  }
0x2: {  	[smem:$0x3F9A] =	sst lr;
	_ =	strace $0xD0000000  }
0x3: {  	_ = 	snop  }
0x4: {  	_ = 	snop  }
0x5: {  	_ = 	snop  }
0x6: {  	_ = 	snop  }
0x7: {  	_ = 	snop  }
__scs_overlays_trampoline_lowered:
0x8: {  	[smem:$0x3FA9] =	sst s0  }
0x9: {  	[smem:$0x3FAA] =	sst s1  }
0xa: {  	[smem:$0x3FAB] =	sst s2  }
0xb: {  	[smem:$0x3FAC] =	sst s3  }
0xc: {  	[smem:$0x3FAD] =	sst s4  }
0xd: {  	[smem:$0x3FAE] =	sst s5  }
0xe: {  	[smem:$0x3FAF] =	sst s6  }
0xf: {  	[smem:$0x3FB0] =	sst s7  }
0x10: {  	[smem:$0x3FB1] =	sst s8  }
0x11: {  	[smem:$0x3FB2] =	sst s9;
	s0 =	simm.s32 @!p0 $0x0  }
0x12: {  	s1 =	sld [smem:$0x3F98];
	s0 =	simm.s32 @p0 $0x1  }
0x13: {  	[smem:$0x3FB3] =	sst s0;
	s0 =	simm.s32 @!p1 $0x0  }
0x14: {  	s2 =	sld [smem:$0x3F97];
	s0 =	simm.s32 @p1 $0x1  }
0x15: {  	[smem:$0x3FB4] =	sst s0;
	s0 =	simm.s32 @!p2 $0x0  }
0x16: {  	s3 =	sld [smem:$0x3FDB];
	s0 =	simm.s32 @p2 $0x1  }
0x17: {  	s4 =	simm.s32 $0x1BF5;
	[smem:$0x3FB6] =	sst s0  }
0x18: {  	s0 =	sld [smem:$0x3F99];
	_ =	swait.ge [sflag:s4], $0x0  }
0x19: {  	s7 =	sld [smem:$0x3F9A]  }
0x1a: {  	s8 =	sadd.s32 $0xFFFFE003, lr  }
0x1b: {  	s9 =	sadd.s32 $0xFFFFFEF7, lr;
	s5 =	simm.s32 $0xFFFFFFFF;
	p2 =	slt.u32 s8, $0xFFFFF086  }
0x1c: {  	p1 =	slt.u32 s9, $0xF7A;
	s5 =	simm.s32 @!p2 $0x0  }
0x1d: {  	s5 =	simm.s32 @p1 $0x1;
	p0 =	seq.s32 s7, s2  }
0x1e: {  	s7 =	smul.u32 @!p0 $0xF7A, s2;
	p2 =	seq.s32 @!p0 s5, $0x0  }
0x1f: {  	s9 =	smul.u32 $0xF7A, s1;
	s8 =	simm.s32 @!p0 $0x1BF5;
	p2 =	por !p2, p0  }
0x20: {  	[sflag:s8] =	ssyncset.s32 @!p0 $0xFFFFF086;
	s6 =	sadd.s32 @!p0 s3, s7;
	s7 =	simm.s32 @!p0 $0x108  }
0x21: {  	s3 =	sadd.s32 s3, s9;
	s6 =	sadd.s32 @!p0 $0x88, s6;
	s7 =	simm.s32 @p2 $0x1082  }
0x22: {  	[simem:s7], [sflag:s8] =	dma.local @!p0 [hbm:s6], $0xF7A  }
0x23: {  	s9 =	sor.u32 $0xD0000000, s2;
	s6 =	simm.s32 $0x108;
	_ =	swait.ge @!p0 [sflag:s8], $0x0  }
0x24: {  	s3 =	sadd.s32 $0x88, s3;
	s6 =	simm.s32 @!p1 $0x1082;
	[sflag:s4] =	ssyncset.s32 $0xFFFFF086  }
0x25: {  	[simem:s6], [sflag:s4] =	dma.local [hbm:s3], $0xF7A  }
0x26: {  	[smem:$0x3F9A] =	sst s1;
	(tag) =	ssettag s2;
	_ =	strace s9  }
0x27: {  	s1 =	sld [smem:$0x3FAA]  }
0x28: {  	s2 =	sld [smem:$0x3FAB]  }
0x29: {  	s4 =	sld [smem:$0x3FAD]  }
0x2a: {  	p0 =	seq.s32 s5, $0x0;
	s5 =	sld [smem:$0x3FAE]  }
0x2b: {  	s6 =	sld [smem:$0x3FAF]  }
0x2c: {  	s7 =	sld [smem:$0x3FB0]  }
0x2d: {  	s3 =	simm.s32 $0x108;
	s8 =	sld [smem:$0x3FB1]  }
0x2e: {  	s3 =	simm.s32 @!p0 $0x1082;
	s9 =	sld [smem:$0x3FB2]  }
0x2f: {  	lr =	sadd.s32 s0, s3;
	s0 =	sld [smem:$0x3FA9]  }
0x30: {  	s3 =	sld [smem:$0x3FAC]  }
0x31: {  	[smem:$0x3FB5] =	sst s10  }
0x32: {  	s10 =	sld [smem:$0x3FB3];
	_ =	sdelay $0x3  }
0x33: {  	p0 =	seq.s32 s10, $0x1;
	s10 =	sld [smem:$0x3FB5];
	_ =	sdelay $0x3  }
0x34: {  	[smem:$0x3FB5] =	sst s10  }
0x35: {  	s10 =	sld [smem:$0x3FB4];
	_ =	sdelay $0x3  }
0x36: {  	p1 =	seq.s32 s10, $0x1;
	s10 =	sld [smem:$0x3FB5];
	_ =	sdelay $0x3  }
0x37: {  	[smem:$0x3FB5] =	sst s10  }
0x38: {  	s10 =	sld [smem:$0x3FB6]  }
0x39: {  	_ = 	snop;
	(pc) =	sbr.ind lr, $3  }
0x3a: {  	_ = 	snop  }
0x3b: {  	_ = 	snop  }
0x3c: {  	p2 =	seq.s32 s10, $0x1;
	s10 =	sld [smem:$0x3FB5]  }
0x3d: {  	_ =	shalt  }
0x3e: {  	_ =	shalt  }
0x3f: {  	_ =	shalt  }
0x40: {  	_ =	shalt  }
0x41: {  	_ =	shalt  }
0x42: {  	_ =	shalt  }
0x43: {  	_ =	shalt  }
0x44: {  	_ =	shalt  }
0x45: {  	_ =	shalt  }
0x46: {  	_ =	shalt  }
0x47: {  	_ =	shalt  }
0x48: {  	_ =	shalt  }
0x49: {  	_ =	shalt  }
0x4a: {  	_ =	shalt  }
0x4b: {  	_ =	shalt  }
0x4c: {  	_ =	shalt  }
0x4d: {  	_ =	shalt  }
0x4e: {  	_ =	shalt  }
0x4f: {  	_ =	shalt  }
0x50: {  	_ =	shalt  }
0x51: {  	_ =	shalt  }
0x52: {  	_ =	shalt  }
0x53: {  	_ =	shalt  }
0x54: {  	_ =	shalt  }
0x55: {  	_ =	shalt  }
0x56: {  	_ =	shalt  }
0x57: {  	_ =	shalt  }
0x58: {  	_ =	shalt  }
0x59: {  	_ =	shalt  }
0x5a: {  	_ =	shalt  }
0x5b: {  	_ =	shalt  }
0x5c: {  	_ =	shalt  }
0x5d: {  	_ =	shalt  }
0x5e: {  	_ =	shalt  }
0x5f: {  	_ =	shalt  }
0x60: {  	_ =	shalt  }
0x61: {  	_ =	shalt  }
0x62: {  	_ =	shalt  }
0x63: {  	_ =	shalt  }
0x64: {  	_ =	shalt  }
0x65: {  	_ =	shalt  }
0x66: {  	_ =	shalt  }
0x67: {  	_ =	shalt  }
0x68: {  	_ =	shalt  }
0x69: {  	_ =	shalt  }
0x6a: {  	_ =	shalt  }
0x6b: {  	_ =	shalt  }
0x6c: {  	_ =	shalt  }
0x6d: {  	_ =	shalt  }
0x6e: {  	_ =	shalt  }
0x6f: {  	_ =	shalt  }
0x70: {  	_ =	shalt  }
0x71: {  	_ =	shalt  }
0x72: {  	_ =	shalt  }
0x73: {  	_ =	shalt  }
0x74: {  	_ =	shalt  }
0x75: {  	_ =	shalt  }
0x76: {  	_ =	shalt  }
0x77: {  	_ =	shalt  }
0x78: {  	_ =	shalt  }
0x79: {  	_ =	shalt  }
0x7a: {  	_ =	shalt  }
0x7b: {  	_ =	shalt  }
0x7c: {  	_ =	shalt  }
0x7d: {  	_ =	shalt  }
0x7e: {  	_ =	shalt  }
0x7f: {  	_ =	shalt  }
0x80: {  	_ =	shalt  }
0x81: {  	_ =	shalt  }
0x82: {  	_ =	shalt  }
0x83: {  	_ =	shalt  }
0x84: {  	_ =	shalt  }
0x85: {  	_ =	shalt  }
0x86: {  	_ =	shalt  }
0x87: {  	_ =	shalt  }
.Lfunc_end0:
.L_simem_size_0:
called_computation_lowered:
.L_overlay_start_0:
0x88: {  	s2 =	sld [smem:$0x3FD9]  }
0x89: {  	s3 =	sld [smem:$0x3FFE];
	_ =	sdelay $0x1  }
0x8a: {  	s1 =	srdreg.scid  }
0x8b: {  	s0 =	sand.u32 $0x1, s1  }
0x8c: {  	s17 =	sshll.u32 s0, $0xA;
	s2 =	sadd.s32 s3, s2  }
0x8d: {  	s2 =	sadd.s32 s2, s17  }
0x8e: {  	[smem:$0x3FC1] =	sst s2  }
0x8f: {  	_ = 	snop  }
0x90: {  	s2 =	sld [smem:$0x3FC9]  }
0x91: {  	s18 =	sld [smem:$0x3FC8]  }
0x92: {  	s4 =	sld [smem:$0x3FC7]  }
0x93: {  	s5 =	sld [smem:$0x3FC6]  }
0x94: {  	s6 =	sld [smem:$0x3FC5]  }
0x95: {  	s7 =	sld [smem:$0x3FC4];
	(tm) =	ssettm $0x1  }
0x96: {  	s8 =	sld [smem:$0x3FFB];
	_ =	sdelay $0x3  }
0x97: {  	_ =	strace s8  }
0x98: {  	s8 =	sld [smem:$0x3FFC];
	_ =	sdelay $0x3  }
0x99: {  	_ =	strace s8  }
0x9a: {  	s8 =	sld [smem:$0x3FFD];
	_ =	sdelay $0x3  }
0x9b: {  	_ =	strace s8  }
0x9c: {  	_ =	strace $0x8FFFFFFF  }
0x9d: {  	s19 =	sld [smem:$0x3FDB];
	_ =	sdelay $0x1  }
0x9e: {  	s9 =	simm.s32 $_scs_section_size  }
0x9f: {  	s10 =	simm.s32 $_size__tile_overlayer_lowered;
	s11 =	simm.s32 $_tile_overlayer_lowered  }
0xa0: {  	s22 =	simm.s32 $0x1BFF;
	s21 =	sshll.u32 s11, $0x1;
	s8 =	sadd.s32 s9, s19  }
0xa1: {  	s12 =	simm.s32 $0x0;
	s20 =	sshll.u32 s10, $0x1;
	s10 =	sadd.s32 s21, s8  }
0xa2: {  	[timem:s12], [sflag:s22] =	dma.local [hbm:s10], s20  }
0xa3: {  	_ =	swait.ge [sflag:s22], s20  }
0xa4: {  	s9 =	ssub.s32 $0x0, s20;
	[sflag:s22] =	ssyncset.done $0x0  }
0xa5: {  	[sflag:s22] =	ssyncadd.s32 s9;
	_ =	sdelay $0x1  }
0xa6: {  	s23 =	simm.s32 $0x1B8B  }
0xa7: {  	_ =	swait.ge [sflag:s23], $0x1  }
0xa8: {  	[sflag:s23] =	ssyncset.done $0x0  }
0xa9: {  	s25 =	simm.s32 $0x1B8E;
	s24 =	sld [smem:$0x3FFE];
	[sflag:s23] =	ssyncadd.s32 $0xFFFFFFFF  }
0xaa: {  	s26 =	simm.s32 $execute0_lowered;
	[smem:$0x3FD2] =	sst s25  }
0xab: {  	s10 =	sshll.u32 s26, $0x1;
	_ =	strace $0x80000046;
	[dreg:$0x1] =	wrdreg $0xFFFFFFFF  }
0xac: {  	s28 =	simm.s32 $_size_execute0_lowered;
	s8 =	sadd.s32 s8, s10;
	[dreg:$0x0] =	wrdreg $0x0  }
0xad: {  	s10 =	sshll.u32 s28, $0x1;
	[dreg:$0x2] =	wrdreg s8  }
0xae: {  	[dreg:$0x3] =	wrdreg s10  }
0xaf: {  	[dreg:$0x4] =	wrdreg $0xC0  }
0xb0: {  	_ =	task [dreg:s12], $0x5FFFF  }
0xb1: {  	[dreg:$0x1] =	wrdreg $0xFFFFFFFF  }
0xb2: {  	[dreg:$0x0] =	wrdreg $0x60  }
0xb3: {  	[dreg:$0x2] =	wrdreg s7  }
0xb4: {  	[dreg:$0x3] =	wrdreg s24  }
0xb5: {  	[dreg:$0x4] =	wrdreg s2  }
0xb6: {  	[dreg:$0x5] =	wrdreg s18  }
0xb7: {  	[dreg:$0x6] =	wrdreg s4  }
0xb8: {  	[dreg:$0x7] =	wrdreg s5  }
0xb9: {  	[dreg:$0x8] =	wrdreg s6  }
0xba: {  	[dreg:$0x9] =	wrdreg $0x9  }
0xbb: {  	_ =	task.clear_ibuf [dreg:s12], $0xAFFFF;
	_ =	strace $0x90000046  }
0xbc: {  	s29 =	simm.s32 $0x9;
	_ =	strace $0x80000048  }
0xbd: {  	_ =	swait.ge [sflag:s29], $0x1  }
0xbe: {  	[sflag:s29] =	ssyncadd.s32 $0xFFFFFFFF  }
0xbf: {  	_ =	strace $0x90000048  }
0xc0: {  	_ =	sfence  }
0xc1: {  	s30 =	sld [smem:$0x0];
	_ =	sdelay $0x2  }
0xc2: {  	s31 =	sshll.u32 s1, $0xD;
	s1 =	sshrl.u32 s1, $0x2  }
0xc3: {  	s3 =	sand.u32 $0x4000, s31;
	s1 =	sadd.s32 s1, s30  }
0xc4: {  	s0 =	sor.u32 s3, s0;
	s1 =	sshll.u32 s1, $0x11  }
0xc5: {  	s0 =	sor.u32 s1, s0  }
0xc6: {  	s0 =	sadd.s32 $0x8F2B, s0  }
0xc7: {  	[sflag:s0] =	ssyncadd.remote.s32 $0x1  }
0xc8: {  	_ =	sfence.sel $0xFFFF  }
0xc9: {  	[dreg:$0x0] =	wrdreg $0xFFFFFFFF;
	(pc) =	sbr.abs _section_cstart, $3  }
0xca: {  	[dreg:$0x1] =	wrdreg $0xFFFFFFFF  }
0xcb: {  	_ =	task.clear_ibuf [dreg:s12], $0x2FFFF;
	_ =	strace $0x9FFFFFFF  }
0xcc: {  	(tm) =	ssettm $0x7FFFFFFF  }
0xcd: {  	_ =	shalt  }
tec
execute0_lowered:
.L_overlay_start_1:
0x0: {  	(tag) =	ssettag $0x1  }
0x1: {  	s0 =	srdreg.scid;
	s1 =	rddreg [dreg:$0x0]  }
0x2: {  	s3 =	stileid.u32;
	s4 =	rddreg [dreg:$0x1]  }
0x3: {  	s6 =	simm.s32 $0x1;
	s16 =	simm.s32 $0x200;
	s20 =	simm.s32 $0x140  }
0x4: {  	s26 =	simm.s32 $0x4380;
	s28 =	simm.s32 $0x3AC0;
	s29 =	simm.s32 $0x44C0  }
0x5: {  	s30 =	simm.s32 $0x3C00;
	s0 =	sand.u32 $0x1, s0;
	s5 =	sand.u32 $0x7, s3  }
0x6: {  	s31 =	simm.s32 $0x4600;
	s2 =	sshll.u32 s0, $0x4;
	p1 =	sne.s32 s5, $0x0  }
0x7: {  	s0 =	ssub.s32 $0x2, s0;
	s24 =	sshll.u32 s5, $0x4;
	s5 =	simm.s32 $0x0  }
0x8: {  	s2 =	sor.u32 s3, s2;
	s3 =	rddreg [dreg:$0x4];
	s23 =	sshrl.u32 s0, $0x1  }
0x9: {  	p0 =	seq.s32 s2, $0x0;
	s7 =	sshrl.u32 s2, $0x3;
	s2 =	sshll.u32 s2, $0x1  }
0xa: {  	s0 =	ssub.s32 s0, s23;
	s23 =	sor.u32 $0x100, s24;
	p0 =	por !p1, !p0  }
0xb: {  	s2 =	sadd.s32 s2, s4;
	s14 =	smax.u32 s0, $0x1;
	p0 =	por !p0, !p0  }
0xc: {  	s0 =	simm.s32 $0x4740;
	s13 =	sadd.s32 $0x1600, s2;
	s6 =	simm.s32 @!p0 $0x0  }
0xd: {  	s2 =	simm.s32 $0x2;
	s6 =	ssub.s32 s7, s6;
	s7 =	simm.s32 $0x0  }
0xe: {  	s8 =	sshll.u32 s6, $0x4;
	[smem:$0x7FF] =	sst s7;
	s22 =	sshll.u32 s6, $0x6;
	v0 =	vmov s6  }
0xf: {  	v1 =	vlaneseq.u32;
	s12 =	sshll.u32 s6, $0x2;
	s25 =	sshll.u32 s6, $0x1;
	s9 =	sand.u32 $0x1FFFFFF0, s8;
	v0 =	vshll.u32 v0, $0x7  }
0x10: {  	v4 =	vor.u32 $0x80, v1;
	_ =	strace $0x80000047;
	s8 =	simm.s32 $0x1;
	v2 =	vmov s25;
	s10 =	sadd.s32 s9, s4;
	v3 =	vbroadcast v0, $0x0  }
0x11: {  	s9 =	sand.u32 $0x1FFFFFC0, s22;
	s22 =	sor.u32 $0x2800, s24;
	v0 =	vor.u32 s24, v1;
	v1 =	vor.u32 s24, v4;
	v4 =	vshll.u32 v2, $0x7;
	s4 =	simm.s32 $0x3D40  }
0x12: {  	s9 =	sadd.s32 s1, s9;
	s10 =	sadd.s32 $0x1000, s10;
	s1 =	simm.s32 $0x4880;
	v2 =	vor.u32 v0, v3;
	v3 =	vbroadcast v4, $0x0;
	v4 =	vimm.f32 $1.000000000e+00  }
.LBB2_1:
0x13: {  	s6 =	simm.s32 $0x800  }
0x14: {  	[tilespmem:s7], [sflag:$0x1] =	stream.strided.gather [hbm4b:s9+s16], $0x2800, s6, s16, $0x38;
	[tilespmem:$0x4890] =	vst v63  }
0x15: {  	s24 =	simm.s32 $0x80;
	s11 =	simm.s32 $0x2800  }
0x16: {  	[tilespmem:s11], [sflag:$0x1] =	stream.strided.gather [hbm4b:s10+s24], $0xA00, s16, s24, $0x38;
	[tilespmem:$0x4890] =	vst v63  }
0x17: {  	_ =	swait.ge [sflag:s8], $0x2800  }
0x18: {  	[sflag:s8] =	ssyncset.done $0x0  }
0x19: {  	[sflag:s8] =	ssyncadd.s32 $0xFFFFD800  }
0x1a: {  	_ =	swait.ge [sflag:s8], $0xA00  }
0x1b: {  	[sflag:s8] =	ssyncset.done $0x0  }
0x1c: {  	[sflag:s8] =	ssyncadd.s32 $0xFFFFF600  }
0x1d: {  	v5 =	vld [tilespmem:s23+$0x80];
	_ =	sdelay $0x2  }
0x1e: {  	s19 =	sand.u32 $0x3, s7  }
0x1f: {  	s25 =	sor.u32 s12, s19;
	v9 =	vld [tilespmem:s23+$0xFFFFFF80]  }
0x20: {  	v7 =	vmov s25;
	v6 =	vld [tilespmem:s23+$0x0];
	vm0 =	vle.f32 v5, $0.0e+00  }
0x21: {  	v8 =	vsel vm0, $0x358637BD, v5;
	v5 =	vshll.u32 v7, $0x7;
	v7 =	vld [tilespmem:s23+$0xFFFFFF00];
	_ =	sdelay $0x2  }
0x22: {  	s18 =	simm.s32 $0x40;
	s21 =	simm.s32 $0x0;
	s17 =	smov.u32 s22;
	vm1 =	vle.f32 v9, $0.0e+00  }
0x23: {  	s15 =	smov.u32 s23;
	s6 =	simm.s32 $0x0;
	s11 =	smov.u32 s22;
	v9 =	vsel vm1, $0x358637BD, v9;
	vm0 =	vle.f32 v6, $0.0e+00;
	v5 =	vbroadcast v5, $0x0  }
.LBB2_2:
0x24: {  	vm1 =	vle.f32 v7, $0.0e+00;
	v8 =	vadd.f32 v8, v9;
	s21 =	sadd.s32 $0x1, s21;
	s17 =	sadd.s32 $0x80, s17;
	s15 =	sadd.s32 $0x200, s15  }
0x25: {  	p0 =	sne.s32 s18, $0x4C0;
	v6 =	vsel vm0, $0x358637BD, v6;
	s24 =	smov.u32 s18;
	s18 =	sadd.s32 $0x40, s18;
	v7 =	vsel vm1, $0x358637BD, v7  }
0x26: {  	v6 =	vadd.f32 v6, v7;
	v7 =	vmul.f32 $5.000000000e-01, v8;
	_ =	sdelay $0x1  }
0x27: {  	v6 =	vmul.f32 $5.000000000e-01, v6;
	v7 =	vmax.f32 v7, $9.999999970e-07  }
0x28: {  	v7 =	vmin.f32 v7, $9.999989860e-01  }
0x29: {  	v6 =	vmax.f32 v6, $9.999999970e-07;
	v7 =	vmul.f32 $7.000000000e+00, v7  }
0x2a: {  	v6 =	vmin.f32 v6, $9.999989860e-01  }
0x2b: {  	v6 =	vmul.f32 $7.000000000e+00, v6;
	v8 =	vtrunc.f32 v7  }
0x2c: {  	v8 =	vcvt.f32.s32 v8  }
0x2d: {  	v9 =	vtrunc.f32 v6  }
0x2e: {  	v9 =	vcvt.f32.s32 v9;
	vm0 =	vgt.s32 v8, $0x0  }
0x2f: {  	v8 =	vnsel vm0, $0x0, v8  }
0x30: {  	vm0 =	vgt.s32 v9, $0x0;
	v8 =	vmin.u32 v8, $0x6  }
0x31: {  	v9 =	vnsel vm0, $0x0, v9;
	v10 =	vcvt.s32.f32 v8;
	v11 =	vmul.u32 $0x7, v8;
	v12 =	vld [tilespmem:s11+$0x0];
	s11 =	smov.u32 s17  }
0x32: {  	v9 =	vmin.u32 v9, $0x6  }
0x33: {  	v13 =	vcvt.s32.f32 v9;
	v7 =	vsub.f32 v7, v10;
	v10 =	vadd.s32 v9, v11  }
0x34: {  	s25 =	sshra.s32 s6, $0x2;
	s6 =	smov.u32 s24;
	v11 =	vshll.u32 v10, $0x2;
	v14 =	vmul.u32 $0x14, v10;
	v10 =	vmul.u32 $0x7, v10  }
0x35: {  	v6 =	vsub.f32 v6, v13;
	v11 =	vor.u32 s19, v11;
	[tilespmem:s25+$0x35C0] =	vst v7  }
0x36: {  	[tilespmem:s25+$0x3200] =	vst v11;
	v7 =	vmul.u32 $0x14, v11;
	v13 =	vadd.s32 v12, v14;
	v9 =	vadd.s32 v9, v10  }
0x37: {  	v8 =	vadd.s32 v8, v10;
	[tilespmem:s25+$0x3480] =	vst v6;
	v6 =	vshll.u32 v13, $0xB;
	v9 =	vshll.u32 v9, $0xB  }
0x38: {  	v8 =	vshll.u32 v8, $0xB;
	v7 =	vadd.s32 v12, v7;
	v6 =	vadd.s32 v5, v6  }
0x39: {  	[tilespmem:s25+$0x3340] =	vst v7;
	v6 =	vor.u32 v0, v6;
	v7 =	vadd.s32 v5, v9;
	v5 =	vadd.s32 v5, v8  }
0x3a: {  	[tilespmem:s25+$0x3840] =	vst v6;
	v6 =	vshll.u32 v11, $0xA;
	v7 =	vor.u32 v0, v7;
	v5 =	vor.u32 v0, v5  }
0x3b: {  	v8 =	vshll.u32 v11, $0x9;
	v6 =	vadd.s32 v3, v6;
	[tilespmem:s25+$0x3D40] =	vst v5  }
0x3c: {  	v5 =	vadd.s32 v2, v8;
	v8 =	vor.u32 v0, v6;
	v6 =	vor.u32 v6, v1;
	[tilespmem:s25+$0x3C00] =	vst v7  }
0x3d: {  	[tilespmem:s25+$0x3700] =	vst v5  }
0x3e: {  	[tilespmem:s25+$0x3980] =	vst v8  }
0x3f: {  	[tilespmem:s25+$0x3AC0] =	vst v6  }
0x40: {  	s19 =	sand.u32 $0x3, s21;
	v5 =	vld [tilespmem:s15+$0x80]  }
0x41: {  	s24 =	sor.u32 s12, s19;
	v9 =	vld [tilespmem:s15+$0xFFFFFF80]  }
0x42: {  	v6 =	vld [tilespmem:s15+$0x0]  }
.Ltmp0:
0x43: {  	v10 =	vmov s24;
	v7 =	vld [tilespmem:s15+$0xFFFFFF00];
	(pc) =	sbr.rel @p0 .LBB2_2-.Ltmp0, $4  }
0x44: {  	_ = 	snop  }
0x45: {  	vm0 =	vle.f32 v5, $0.0e+00  }
0x46: {  	vm1 =	vle.f32 v9, $0.0e+00;
	v8 =	vsel vm0, $0x358637BD, v5;
	v5 =	vshll.u32 v10, $0x7  }
0x47: {  	v9 =	vsel vm1, $0x358637BD, v9;
	vm0 =	vle.f32 v6, $0.0e+00;
	v5 =	vbroadcast v5, $0x0  }
0x48: {  	vm1 =	vle.f32 v7, $0.0e+00;
	v8 =	vadd.f32 v8, v9  }
0x49: {  	v6 =	vsel vm0, $0x358637BD, v6;
	v7 =	vsel vm1, $0x358637BD, v7  }
0x4a: {  	v6 =	vadd.f32 v6, v7;
	v7 =	vmul.f32 $5.000000000e-01, v8;
	_ =	sdelay $0x1  }
0x4b: {  	v6 =	vmul.f32 $5.000000000e-01, v6;
	v7 =	vmax.f32 v7, $9.999999970e-07  }
0x4c: {  	v7 =	vmin.f32 v7, $9.999989860e-01  }
0x4d: {  	v6 =	vmax.f32 v6, $9.999999970e-07;
	v7 =	vmul.f32 $7.000000000e+00, v7  }
0x4e: {  	v6 =	vmin.f32 v6, $9.999989860e-01  }
0x4f: {  	v6 =	vmul.f32 $7.000000000e+00, v6;
	v8 =	vtrunc.f32 v7  }
0x50: {  	v8 =	vcvt.f32.s32 v8  }
0x51: {  	v9 =	vtrunc.f32 v6  }
0x52: {  	v9 =	vcvt.f32.s32 v9;
	vm12 =	vgt.s32 v8, $0x0  }
0x53: {  	v8 =	vnsel vm12, $0x0, v8  }
0x54: {  	vm13 =	vgt.s32 v9, $0x0;
	v8 =	vmin.u32 v8, $0x6  }
0x55: {  	v11 =	vld [tilespmem:s11+$0x0];
	v9 =	vnsel vm13, $0x0, v9;
	v10 =	vmul.u32 $0x7, v8  }
0x56: {  	v12 =	vcvt.s32.f32 v8;
	v9 =	vmin.u32 v9, $0x6  }
0x57: {  	v13 =	vcvt.s32.f32 v9;
	v10 =	vadd.s32 v9, v10  }
0x58: {  	v7 =	vsub.f32 v7, v12;
	v61 =	vshll.u32 v10, $0x2;
	v14 =	vmul.u32 $0x14, v10  }
0x59: {  	s6 =	sshra.s32 s6, $0x2;
	v10 =	vmul.u32 $0x7, v10;
	v12 =	vor.u32 s19, v61  }
0x5a: {  	v6 =	vsub.f32 v6, v13;
	[tilespmem:s6+$0x35C0] =	vst v7;
	v7 =	vmul.u32 $0x14, v12;
	v62 =	vadd.s32 v11, v14  }
0x5b: {  	[tilespmem:s6+$0x3200] =	vst v12;
	v9 =	vadd.s32 v9, v10;
	v8 =	vadd.s32 v8, v10;
	v13 =	vshll.u32 v62, $0xB  }
0x5c: {  	[tilespmem:s6+$0x3480] =	vst v6;
	v8 =	vshll.u32 v8, $0xB;
	v6 =	vadd.s32 v11, v7;
	v7 =	vadd.s32 v5, v13  }
0x5d: {  	v9 =	vshll.u32 v9, $0xB;
	[tilespmem:s6+$0x3340] =	vst v6;
	v6 =	vor.u32 v0, v7;
	v7 =	vadd.s32 v5, v8  }
0x5e: {  	v5 =	vadd.s32 v5, v9;
	[tilespmem:s6+$0x3840] =	vst v6;
	v6 =	vor.u32 v0, v7  }
0x5f: {  	v8 =	vshll.u32 v12, $0x9;
	v7 =	vshll.u32 v12, $0xA;
	v5 =	vor.u32 v0, v5;
	[tilespmem:s6+$0x3D40] =	vst v6  }
0x60: {  	v6 =	vadd.s32 v3, v7;
	v7 =	vadd.s32 v2, v8;
	[tilespmem:s6+$0x3C00] =	vst v5  }
0x61: {  	v5 =	vor.u32 v0, v6;
	[tilespmem:s6+$0x3700] =	vst v7  }
0x62: {  	v6 =	vor.u32 v6, v1;
	[tilespmem:s6+$0x3980] =	vst v5  }
0x63: {  	s24 =	rddreg [dreg:$0x2];
	s25 =	simm.s32 $0x3700;
	s15 =	simm.s32 $0x4100;
	[tilespmem:s6+$0x3AC0] =	vst v6  }
0x64: {  	[tilespmem:s15], [sflag:$0x1] =	stream.indirect.gather [hbm4b:s24+s20], $0x1, s25, s20, $0xb8;
	[tilespmem:$0x4890] =	vst v63  }
0x65: {  	s17 =	rddreg [dreg:$0x3];
	s18 =	simm.s32 $0x3840;
	s19 =	simm.s32 $0x4240  }
0x66: {  	[tilespmem:s19], [sflag:$0x1] =	stream.indirect.gather [hbm4b:s17+s20], $0x1, s18, s20, $0xb8;
	[tilespmem:$0x4890] =	vst v63  }
0x67: {  	s21 =	simm.s32 $0x3980  }
0x68: {  	[tilespmem:s26], [sflag:$0x1] =	stream.indirect.gather [hbm4b:s3+s20], $0x1, s21, s20, $0xb8;
	[tilespmem:$0x4890] =	vst v63  }
0x69: {  	_ = 	snop  }
0x6a: {  	[tilespmem:s29], [sflag:$0x1] =	stream.indirect.gather [hbm4b:s3+s20], $0x1, s28, s20, $0xb8;
	[tilespmem:$0x4890] =	vst v63  }
0x6b: {  	s24 =	rddreg [dreg:$0x5]  }
0x6c: {  	[tilespmem:s31], [sflag:$0x1] =	stream.indirect.gather [hbm4b:s24+s20], $0x1, s30, s20, $0xb8;
	[tilespmem:$0x4890] =	vst v63  }
0x6d: {  	s25 =	rddreg [dreg:$0x6]  }
0x6e: {  	[tilespmem:s0], [sflag:$0x1] =	stream.indirect.gather [hbm4b:s25+s20], $0x1, s4, s20, $0xb8;
	[tilespmem:$0x4890] =	vst v63  }
0x6f: {  	[tilespmem:$0x3E80] =	vst v4  }
0x70: {  	[tilespmem:$0x3FC0] =	vst v4  }
0x71: {  	[tilespmem:$0x3E90] =	vst v4  }
0x72: {  	[tilespmem:$0x3FD0] =	vst v4  }
0x73: {  	[tilespmem:$0x3EA0] =	vst v4  }
0x74: {  	[tilespmem:$0x3FE0] =	vst v4  }
0x75: {  	[tilespmem:$0x3EB0] =	vst v4  }
0x76: {  	[tilespmem:$0x3FF0] =	vst v4  }
0x77: {  	[tilespmem:$0x3EC0] =	vst v4  }
0x78: {  	[tilespmem:$0x4000] =	vst v4  }
0x79: {  	[tilespmem:$0x3ED0] =	vst v4  }
0x7a: {  	[tilespmem:$0x4010] =	vst v4  }
0x7b: {  	[tilespmem:$0x3EE0] =	vst v4  }
0x7c: {  	[tilespmem:$0x4020] =	vst v4  }
0x7d: {  	[tilespmem:$0x3EF0] =	vst v4  }
0x7e: {  	[tilespmem:$0x4030] =	vst v4  }
0x7f: {  	[tilespmem:$0x3F00] =	vst v4  }
0x80: {  	[tilespmem:$0x4040] =	vst v4  }
0x81: {  	[tilespmem:$0x3F10] =	vst v4  }
0x82: {  	[tilespmem:$0x4050] =	vst v4  }
0x83: {  	[tilespmem:$0x3F20] =	vst v4  }
0x84: {  	[tilespmem:$0x4060] =	vst v4  }
0x85: {  	[tilespmem:$0x3F30] =	vst v4  }
0x86: {  	[tilespmem:$0x4070] =	vst v4  }
0x87: {  	[tilespmem:$0x3F40] =	vst v4  }
0x88: {  	[tilespmem:$0x4080] =	vst v4  }
0x89: {  	[tilespmem:$0x3F50] =	vst v4  }
0x8a: {  	[tilespmem:$0x4090] =	vst v4  }
0x8b: {  	[tilespmem:$0x3F60] =	vst v4  }
0x8c: {  	[tilespmem:$0x40A0] =	vst v4  }
0x8d: {  	[tilespmem:$0x3F70] =	vst v4  }
0x8e: {  	[tilespmem:$0x40B0] =	vst v4  }
0x8f: {  	[tilespmem:$0x3F80] =	vst v4  }
0x90: {  	[tilespmem:$0x40C0] =	vst v4  }
0x91: {  	[tilespmem:$0x3F90] =	vst v4  }
0x92: {  	[tilespmem:$0x40D0] =	vst v4  }
0x93: {  	[tilespmem:$0x3FA0] =	vst v4  }
0x94: {  	[tilespmem:$0x40E0] =	vst v4  }
0x95: {  	[tilespmem:$0x3FB0] =	vst v4  }
0x96: {  	s6 =	simm.s32 $0x0;
	[tilespmem:$0x40F0] =	vst v4  }
0x97: {  	v7 =	vld [tilespmem:s6+$0x3200]  }
0x98: {  	v8 =	vld [tilespmem:s6+$0x3340]  }
0x99: {  	v9 =	vld [tilespmem:s6+$0x3240]  }
0x9a: {  	v10 =	vld [tilespmem:s6+$0x3380]  }
0x9b: {  	v11 =	vld [tilespmem:s6+$0x3E80]  }
0x9c: {  	v63 =	vld [tilespmem:s6+$0x3FC0]  }
0x9d: {  	s11 =	simm.s32 $0x10  }
0x9e: {  	v6 =	vld [tilespmem:s11+$0x3200]  }
0x9f: {  	v5 =	vld [tilespmem:s11+$0x3340];
	vm14 =	veq.s32 v7, v9  }
0xa0: {  	v7 =	vld [tilespmem:s11+$0x3240];
	vm15 =	veq.s32 v8, v10;
	v9 =	vsel vm14, $0x0, v11  }
0xa1: {  	s15 =	simm.s32 $0x80;
	s17 =	simm.s32 $0x0;
	v8 =	vld [tilespmem:s11+$0x3380];
	[tilespmem:s6+$0x3E80] =	vst v9;
	v9 =	vsel vm15, $0x0, v63  }
.LBB2_4:
0xa2: {  	p0 =	sne.s32 s15, $0x3C0;
	v10 =	vld [tilespmem:s11+$0x3E80];
	[tilespmem:s17+$0x3FC0] =	vst v9;
	s17 =	smov.u32 s11  }
0xa3: {  	v9 =	vld [tilespmem:s17+$0x3FC0];
	v11 =	vmov v6  }
.Ltmp1:
0xa4: {  	s11 =	sshra.s32 s15, $0x2;
	v12 =	vmov v5;
	(pc) =	sbr.rel @p0 .LBB2_4-.Ltmp1, $4  }
0xa5: {  	v6 =	vld [tilespmem:s11+$0x3200]  }
0xa6: {  	vm0 =	veq.s32 v11, v7;
	v5 =	vld [tilespmem:s11+$0x3340]  }
0xa7: {  	v7 =	vld [tilespmem:s11+$0x3240];
	v10 =	vsel vm0, $0x0, v10;
	vm0 =	veq.s32 v12, v8  }
0xa8: {  	s15 =	sadd.s32 $0x40, s15;
	v8 =	vld [tilespmem:s11+$0x3380];
	[tilespmem:s17+$0x3E80] =	vst v10;
	v9 =	vsel vm0, $0x0, v9  }
0xa9: {  	v10 =	vld [tilespmem:s11+$0x3E80];
	[tilespmem:s17+$0x3FC0] =	vst v9  }
0xaa: {  	v9 =	vld [tilespmem:s11+$0x3FC0];
	_ =	sdelay $0x2  }
0xab: {  	vm0 =	veq.s32 v6, v7  }
0xac: {  	vm13 =	veq.s32 v5, v8;
	v6 =	vsel vm0, $0x0, v10  }
0xad: {  	[tilespmem:s11+$0x3E80] =	vst v6;
	v5 =	vsel vm13, $0x0, v9  }
0xae: {  	[tilespmem:s11+$0x3FC0] =	vst v5  }
0xaf: {  	v7 =	vld [tilespmem:s6+$0x3200]  }
0xb0: {  	v8 =	vld [tilespmem:s6+$0x3340]  }
0xb1: {  	v9 =	vld [tilespmem:s6+$0x3280]  }
0xb2: {  	v10 =	vld [tilespmem:s6+$0x33C0]  }
0xb3: {  	v11 =	vld [tilespmem:s6+$0x3E80]  }
0xb4: {  	v12 =	vld [tilespmem:s6+$0x3FC0]  }
0xb5: {  	s11 =	simm.s32 $0x10  }
0xb6: {  	v6 =	vld [tilespmem:s11+$0x3200]  }
0xb7: {  	v5 =	vld [tilespmem:s11+$0x3340];
	vm14 =	veq.s32 v7, v9  }
0xb8: {  	v7 =	vld [tilespmem:s11+$0x3280];
	vm15 =	veq.s32 v8, v10;
	v9 =	vsel vm14, $0x0, v11  }
0xb9: {  	s15 =	simm.s32 $0x80;
	v8 =	vld [tilespmem:s11+$0x33C0];
	[tilespmem:s6+$0x3E80] =	vst v9;
	v9 =	vsel vm15, $0x0, v12  }
.LBB2_6:
0xba: {  	p0 =	sne.s32 s15, $0x2C0;
	v10 =	vld [tilespmem:s11+$0x3E80];
	[tilespmem:s6+$0x3FC0] =	vst v9;
	s6 =	smov.u32 s11  }
0xbb: {  	v9 =	vld [tilespmem:s6+$0x3FC0];
	v11 =	vmov v6  }
.Ltmp2:
0xbc: {  	s11 =	sshra.s32 s15, $0x2;
	v12 =	vmov v5;
	(pc) =	sbr.rel @p0 .LBB2_6-.Ltmp2, $4  }
0xbd: {  	v6 =	vld [tilespmem:s11+$0x3200]  }
0xbe: {  	vm0 =	veq.s32 v11, v7;
	v5 =	vld [tilespmem:s11+$0x3340]  }
0xbf: {  	v7 =	vld [tilespmem:s11+$0x3280];
	v10 =	vsel vm0, $0x0, v10;
	vm0 =	veq.s32 v12, v8  }
0xc0: {  	s15 =	sadd.s32 $0x40, s15;
	v8 =	vld [tilespmem:s11+$0x33C0];
	[tilespmem:s6+$0x3E80] =	vst v10;
	v9 =	vsel vm0, $0x0, v9  }
0xc1: {  	v10 =	vld [tilespmem:s11+$0x3E80];
	[tilespmem:s6+$0x3FC0] =	vst v9  }
0xc2: {  	v9 =	vld [tilespmem:s11+$0x3FC0];
	_ =	sdelay $0x2  }
0xc3: {  	vm0 =	veq.s32 v6, v7  }
0xc4: {  	vm15 =	veq.s32 v5, v8;
	v6 =	vsel vm0, $0x0, v10  }
0xc5: {  	[tilespmem:s11+$0x3E80] =	vst v6;
	v5 =	vsel vm15, $0x0, v9  }
0xc6: {  	[tilespmem:s11+$0x3FC0] =	vst v5  }
0xc7: {  	v5 =	vld [tilespmem:$0x3200]  }
0xc8: {  	v6 =	vld [tilespmem:$0x3340]  }
0xc9: {  	v7 =	vld [tilespmem:$0x32C0]  }
0xca: {  	v8 =	vld [tilespmem:$0x3400]  }
0xcb: {  	v56 =	vld [tilespmem:$0x3E80]  }
0xcc: {  	v57 =	vld [tilespmem:$0x3FC0]  }
0xcd: {  	v11 =	vld [tilespmem:$0x3210]  }
0xce: {  	v12 =	vld [tilespmem:$0x3350]  }
0xcf: {  	v13 =	vld [tilespmem:$0x32D0]  }
0xd0: {  	v14 =	vld [tilespmem:$0x3410]  }
0xd1: {  	v15 =	vld [tilespmem:$0x3E90]  }
0xd2: {  	v16 =	vld [tilespmem:$0x3FD0]  }
0xd3: {  	v17 =	vld [tilespmem:$0x3220]  }
0xd4: {  	v18 =	vld [tilespmem:$0x3360]  }
0xd5: {  	v19 =	vld [tilespmem:$0x32E0]  }
0xd6: {  	v20 =	vld [tilespmem:$0x3420]  }
0xd7: {  	v21 =	vld [tilespmem:$0x3EA0]  }
0xd8: {  	v22 =	vld [tilespmem:$0x3FE0]  }
0xd9: {  	v23 =	vld [tilespmem:$0x3230]  }
0xda: {  	v24 =	vld [tilespmem:$0x3370]  }
0xdb: {  	v25 =	vld [tilespmem:$0x32F0]  }
0xdc: {  	v26 =	vld [tilespmem:$0x3430]  }
0xdd: {  	v27 =	vld [tilespmem:$0x3EB0]  }
0xde: {  	v28 =	vld [tilespmem:$0x3FF0]  }
0xdf: {  	v29 =	vld [tilespmem:$0x3240]  }
0xe0: {  	v30 =	vld [tilespmem:$0x3380]  }
0xe1: {  	v31 =	vld [tilespmem:$0x3300]  }
0xe2: {  	v32 =	vld [tilespmem:$0x3440]  }
0xe3: {  	v33 =	vld [tilespmem:$0x3EC0]  }
0xe4: {  	v34 =	vld [tilespmem:$0x4000]  }
0xe5: {  	v35 =	vld [tilespmem:$0x3250]  }
0xe6: {  	v36 =	vld [tilespmem:$0x3390]  }
0xe7: {  	v37 =	vld [tilespmem:$0x3310]  }
0xe8: {  	v38 =	vld [tilespmem:$0x3450]  }
0xe9: {  	v39 =	vld [tilespmem:$0x3ED0]  }
0xea: {  	v40 =	vld [tilespmem:$0x4010]  }
0xeb: {  	v41 =	vld [tilespmem:$0x3260]  }
0xec: {  	v42 =	vld [tilespmem:$0x33A0]  }
0xed: {  	v43 =	vld [tilespmem:$0x3320]  }
0xee: {  	v44 =	vld [tilespmem:$0x3460]  }
0xef: {  	v45 =	vld [tilespmem:$0x3EE0]  }
0xf0: {  	v46 =	vld [tilespmem:$0x4020]  }
0xf1: {  	v47 =	vld [tilespmem:$0x3270]  }
0xf2: {  	v48 =	vld [tilespmem:$0x33B0]  }
0xf3: {  	v49 =	vld [tilespmem:$0x3330]  }
0xf4: {  	v50 =	vld [tilespmem:$0x3470]  }
0xf5: {  	v51 =	vld [tilespmem:$0x3EF0]  }
0xf6: {  	v52 =	vld [tilespmem:$0x4030]  }
0xf7: {  	v53 =	vld [tilespmem:$0x3200]  }
0xf8: {  	v10 =	vld [tilespmem:$0x3210]  }
0xf9: {  	vm4 =	veq.s32 v5, v7;
	v5 =	vld [tilespmem:$0x3340]  }
0xfa: {  	vm5 =	veq.s32 v6, v8;
	v6 =	vld [tilespmem:$0x3300]  }
0xfb: {  	v8 =	vld [tilespmem:$0x3440]  }
0xfc: {  	vm6 =	veq.s32 v11, v13;
	vm7 =	veq.s32 v12, v14;
	v12 =	vld [tilespmem:$0x3350];
	v7 =	vsel vm4, $0x0, v56  }
0xfd: {  	v13 =	vld [tilespmem:$0x3450];
	v11 =	vsel vm6, $0x0, v15;
	[tilespmem:$0x3E80] =	vst v7  }
0xfe: {  	vm8 =	veq.s32 v17, v19;
	vm12 =	veq.s32 v29, v31;
	v29 =	vld [tilespmem:$0x3220];
	v58 =	vsel vm7, $0x0, v16;
	[tilespmem:$0x3E90] =	vst v11  }
0xff: {  	vm9 =	veq.s32 v18, v20;
	vm14 =	veq.s32 v35, v37;
	v35 =	vld [tilespmem:$0x3320];
	v59 =	vsel vm8, $0x0, v21;
	[tilespmem:$0x3FD0] =	vst v58  }
0x100: {  	vm10 =	veq.s32 v23, v25;
	v60 =	vsel vm9, $0x0, v22;
	v31 =	vsel vm12, $0x0, v33;
	v33 =	vld [tilespmem:$0x3360];
	[tilespmem:$0x3EA0] =	vst v59  }
0x101: {  	vm11 =	veq.s32 v24, v26;
	v62 =	vsel vm10, $0x0, v27;
	v37 =	vsel vm14, $0x0, v39;
	v39 =	vld [tilespmem:$0x3460];
	[tilespmem:$0x3FE0] =	vst v60  }
0x102: {  	v28 =	vsel vm11, $0x0, v28;
	v56 =	vld [tilespmem:$0x3230];
	[tilespmem:$0x3EB0] =	vst v62  }
0x103: {  	v11 =	vld [tilespmem:$0x3310];
	[tilespmem:$0x3FF0] =	vst v28  }
0x104: {  	vm13 =	veq.s32 v30, v32;
	v7 =	vsel vm5, $0x0, v57;
	[tilespmem:$0x3EC0] =	vst v31;
	v58 =	vld [tilespmem:$0x3370]  }
0x105: {  	v34 =	vsel vm13, $0x0, v34;
	[tilespmem:$0x3FC0] =	vst v7;
	v7 =	vld [tilespmem:$0x3E80]  }
0x106: {  	vm15 =	veq.s32 v36, v38;
	[tilespmem:$0x4000] =	vst v34;
	v61 =	vld [tilespmem:$0x3E90]  }
0x107: {  	v40 =	vsel vm15, $0x0, v40;
	vm4 =	veq.s32 v41, v43;
	[tilespmem:$0x3ED0] =	vst v37;
	v63 =	vld [tilespmem:$0x3FD0]  }
0x108: {  	vm6 =	veq.s32 v47, v49;
	v45 =	vsel vm4, $0x0, v45;
	[tilespmem:$0x4010] =	vst v40;
	v9 =	vld [tilespmem:$0x3FC0]  }
0x109: {  	vm7 =	veq.s32 v48, v50;
	v57 =	vsel vm6, $0x0, v51;
	v43 =	vld [tilespmem:$0x3EA0];
	[tilespmem:$0x3EE0] =	vst v45  }
0x10a: {  	vm5 =	veq.s32 v42, v44;
	v59 =	vsel vm7, $0x0, v52;
	v54 =	vld [tilespmem:$0x3FE0];
	[tilespmem:$0x3EF0] =	vst v57  }
0x10b: {  	v55 =	vsel vm5, $0x0, v46;
	[tilespmem:$0x4030] =	vst v59;
	vm8 =	veq.s32 v53, v6;
	v6 =	vld [tilespmem:$0x3330]  }
0x10c: {  	[tilespmem:$0x4020] =	vst v55;
	vm9 =	veq.s32 v5, v8;
	v5 =	vld [tilespmem:$0x3470];
	v7 =	vsel vm8, $0x0, v7  }
0x10d: {  	vm10 =	veq.s32 v10, v11;
	v8 =	vsel vm9, $0x0, v9;
	[tilespmem:$0x3E80] =	vst v7;
	v7 =	vld [tilespmem:$0x3EB0]  }
0x10e: {  	vm11 =	veq.s32 v12, v13;
	v60 =	vsel vm10, $0x0, v61;
	[tilespmem:$0x3FC0] =	vst v8;
	v8 =	vld [tilespmem:$0x3FF0]  }
0x10f: {  	vm12 =	veq.s32 v29, v35;
	v61 =	vsel vm11, $0x0, v63;
	[tilespmem:$0x3E90] =	vst v60  }
0x110: {  	vm13 =	veq.s32 v33, v39;
	v62 =	vsel vm12, $0x0, v43;
	[tilespmem:$0x3FD0] =	vst v61  }
0x111: {  	v63 =	vsel vm13, $0x0, v54;
	[tilespmem:$0x3EA0] =	vst v62;
	vm14 =	veq.s32 v56, v6  }
0x112: {  	[tilespmem:$0x3FE0] =	vst v63;
	vm15 =	veq.s32 v58, v5;
	v6 =	vsel vm14, $0x0, v7  }
0x113: {  	[tilespmem:$0x3EB0] =	vst v6;
	v5 =	vsel vm15, $0x0, v8  }
0x114: {  	[tilespmem:$0x3FF0] =	vst v5  }
0x115: {  	_ =	swait.ge [sflag:s8], $0x140  }
0x116: {  	[sflag:s8] =	ssyncset.done $0x0  }
0x117: {  	[sflag:s8] =	ssyncadd.s32 $0xFFFFFEC0  }
0x118: {  	_ =	swait.ge [sflag:s8], $0x140  }
0x119: {  	[sflag:s8] =	ssyncset.done $0x0  }
0x11a: {  	[sflag:s8] =	ssyncadd.s32 $0xFFFFFEC0  }
0x11b: {  	_ =	swait.ge [sflag:s8], $0x140  }
0x11c: {  	[sflag:s8] =	ssyncset.done $0x0  }
0x11d: {  	[sflag:s8] =	ssyncadd.s32 $0xFFFFFEC0  }
0x11e: {  	_ =	swait.ge [sflag:s8], $0x140  }
0x11f: {  	[sflag:s8] =	ssyncset.done $0x0  }
0x120: {  	[sflag:s8] =	ssyncadd.s32 $0xFFFFFEC0  }
0x121: {  	_ =	swait.ge [sflag:s8], $0x140  }
0x122: {  	[sflag:s8] =	ssyncset.done $0x0  }
0x123: {  	[sflag:s8] =	ssyncadd.s32 $0xFFFFFEC0  }
0x124: {  	_ =	swait.ge [sflag:s8], $0x140  }
0x125: {  	[sflag:s8] =	ssyncset.done $0x0  }
0x126: {  	v5 =	vimm.f32 $0.0e+00;
	[sflag:s8] =	ssyncadd.s32 $0xFFFFFEC0  }
0x127: {  	s11 =	simm.s32 $0x0;
	[tilespmem:$0x4880] =	vst v5  }
0x128: {  	s6 =	simm.s32 $0x40;
	v6 =	vld [tilespmem:s11+$0x4600]  }
.LBB2_8:
0x129: {  	p0 =	sne.s32 s6, $0x4C0;
	v7 =	vld [tilespmem:s11+$0x3480]  }
0x12a: {  	v8 =	vld [tilespmem:s11+$0x4100]  }
0x12b: {  	v9 =	vld [tilespmem:s11+$0x4380]  }
0x12c: {  	v10 =	vld [tilespmem:s11+$0x4240]  }
0x12d: {  	v11 =	vld [tilespmem:s11+$0x35C0]  }
0x12e: {  	v12 =	vadd.f32 v7, v7;
	v13 =	vld [tilespmem:s11+$0x4740]  }
0x12f: {  	v14 =	vld [tilespmem:s11+$0x44C0]  }
0x130: {  	v7 =	vmul.f32 v7, v7;
	v15 =	vld [tilespmem:s11+$0x3FC0];
	v9 =	vmul.f32 v9, v12  }
0x131: {  	v8 =	vmul.f32 $-1.992984650e-05, v8;
	v12 =	vld [tilespmem:s11+$0x3E80];
	v10 =	vmul.f32 $-9.964923040e-07, v10  }
0x132: {  	v7 =	vsub.f32 v7, v9;
	v9 =	vmul.f32 v11, v11;
	v11 =	vadd.f32 v11, v11  }
0x133: {  	v10 =	vadd.f32 $4.982461520e-07, v10;
	v6 =	vadd.f32 v13, v6  }
0x134: {  	v8 =	vadd.f32 $9.964923260e-06, v8;
	v7 =	vadd.f32 v7, v9;
	v9 =	vmul.f32 v14, v11  }
0x135: {  	v10 =	vmul.f32 v10, v15;
	v6 =	vadd.f32 v6, v6  }
0x136: {  	v8 =	vmul.f32 v8, v12;
	v11 =	vmul.f32 $4.982461630e-06, v12;
	v7 =	vsub.f32 v7, v9  }
0x137: {  	v6 =	vsub.f32 $2.000000000e+00, v6  }
0x138: {  	v9 =	vmul.f32 $1.423560550e-06, v12;
	v8 =	vadd.f32 v10, v8;
	v7 =	vmul.f32 v7, v11;
	_ =	sdelay $0x1  }
0x139: {  	v6 =	vmul.f32 v6, v9;
	v7 =	vadd.f32 v7, v8;
	_ =	sdelay $0x1  }
0x13a: {  	v6 =	vadd.f32 v6, v7  }
.Ltmp3:
0x13b: {  	(pc) =	sbr.rel @p0 .LBB2_8-.Ltmp3, $3  }
0x13c: {  	v5 =	vadd.f32 v6, v5;
	_ =	sdelay $0x1  }
0x13d: {  	s11 =	sshra.s32 s6, $0x2;
	[tilespmem:$0x4880] =	vst v5  }
0x13e: {  	s6 =	sadd.s32 $0x40, s6;
	v6 =	vld [tilespmem:s11+$0x4600]  }
0x13f: {  	v7 =	vld [tilespmem:s11+$0x3480]  }
0x140: {  	v8 =	vld [tilespmem:s11+$0x4100]  }
0x141: {  	v9 =	vld [tilespmem:s11+$0x4380]  }
0x142: {  	v10 =	vld [tilespmem:s11+$0x4240]  }
0x143: {  	v11 =	vld [tilespmem:s11+$0x35C0]  }
0x144: {  	v13 =	vld [tilespmem:s11+$0x4740];
	v12 =	vadd.f32 v7, v7  }
0x145: {  	v14 =	vld [tilespmem:s11+$0x44C0]  }
0x146: {  	v59 =	vld [tilespmem:s11+$0x3E80];
	v7 =	vmul.f32 v7, v7;
	v9 =	vmul.f32 v9, v12  }
0x147: {  	v15 =	vld [tilespmem:s11+$0x3FC0];
	v8 =	vmul.f32 $-1.992984650e-05, v8;
	v10 =	vmul.f32 $-9.964923040e-07, v10  }
0x148: {  	v60 =	vmul.f32 v11, v11;
	v11 =	vadd.f32 v11, v11;
	v7 =	vsub.f32 v7, v9  }
0x149: {  	v6 =	vadd.f32 v13, v6;
	v10 =	vadd.f32 $4.982461520e-07, v10  }
0x14a: {  	v8 =	vadd.f32 $9.964923260e-06, v8;
	v61 =	vmul.f32 v14, v11;
	v7 =	vadd.f32 v7, v60  }
0x14b: {  	v62 =	vmul.f32 $4.982461630e-06, v59;
	v6 =	vadd.f32 v6, v6  }
0x14c: {  	v10 =	vmul.f32 v10, v15;
	v8 =	vmul.f32 v8, v59;
	v7 =	vsub.f32 v7, v61  }
0x14d: {  	v63 =	vmul.f32 $1.423560550e-06, v59  }
0x14e: {  	v6 =	vsub.f32 $2.000000000e+00, v6;
	v8 =	vadd.f32 v10, v8;
	v7 =	vmul.f32 v7, v62;
	_ =	sdelay $0x1  }
0x14f: {  	v6 =	vmul.f32 v6, v63;
	v7 =	vadd.f32 v7, v8;
	_ =	sdelay $0x1  }
0x150: {  	v6 =	vadd.f32 v6, v7;
	_ =	sdelay $0x1  }
0x151: {  	s5 =	sadd.s32 $0x1, s5;
	v5 =	vadd.f32 v6, v5  }
0x152: {  	p0 =	sne.s32 s5, s14  }
.Ltmp4:
0x153: {  	[tilespmem:$0x4880] =	vst v5;
	(pc) =	sbr.rel @p0 .LBB2_1-.Ltmp4, $4  }
0x154: {  	[hbm4b:s13+s7] =	stream.linear.scatter [tilespmem:s1], [sflag:$0x2], $0x10, $0x38;
	[tilespmem:$0x4890] =	vst v63  }
0x155: {  	_ =	swait.ge [sflag:s2], $0x10  }
0x156: {  	[sflag:s2] =	ssyncset.done $0x0  }
0x157: {  	[sflag:s2] =	ssyncadd.s32 $0xFFFFFFF0  }
0x158: {  	_ =	sfence.sel $0x180000  }
0x159: {  	[bflag:$0x0] =	sbarrier.arrive $0xFFFF  }
0x15a: {  	_ =	strace $0x90000047  }
0x15b: {  	s0 =	stileid.u32;
	[bflag:$0x2] =	sbarrier.arrive $0xFFFF  }
0x15c: {  	p0 =	sne.s32 s0, $0x0;
	s0 =	rddreg [dreg:$0x7]  }
0x15d: {  	s0 =	sadd.s32 @!p0 $0x100000, s0  }
0x15e: {  	[sflag:s0] =	ssyncadd.tile.s32 @!p0 $0x1;
	_ =	shalt  }
.Lfunc_end2:
_tile_overlayer_lowered:
.L_overlay_start_2:
0x15f: {  	(tag) =	ssettag $0x2  }
0x160: {  	s0 =	rddreg [dreg:$0x0];
	s2 =	stileid.u32  }
0x161: {  	s1 =	rddreg [dreg:$0x1];
	p0 =	sne.s32 s2, $0x0  }
0x162: {  	s3 =	rddreg [dreg:$0x2];
	[bflag:$0x3] =	sbarrier.arrive $0xFFFF;
	s2 =	simm.s32 @!p0 $0x1C02  }
0x163: {  	[timem:s3], [sflag:s2] =	dma.local @!p0 [hbm:s0], s1  }
0x164: {  	s0 =	simm.s32 @!p0 $0x2  }
0x165: {  	_ =	swait.ge @!p0 [sflag:s0], s1  }
0x166: {  	s1 =	ssub.s32 @!p0 $0x0, s1;
	[sflag:s0] =	ssyncset.done @!p0 $0x0  }
0x167: {  	[sflag:s0] =	ssyncadd.s32 @!p0 s1  }
0x168: {  	[bflag:$0x3] =	sbarrier.arrive $0xFFFF  }
0x169: {  	_ =	shalt  }

</sc_bundles>
